<compile_context>
chip_gen: v7x
topology: tpu7x:2x2x1
jax: 0.10.2.dev20260603
libtpu: 0.0.44.dev20260713+nightly
codegen_flags: <defaults>
</compile_context>

<pallas_src>
import functools

import jax
import jax.numpy as jnp
from jax import lax
from jax.experimental import pallas as pl
from jax.experimental.pallas import tpu as pltpu
from jax.experimental.pallas import tpu_sc as plsc

NC = 2
NS = 16
NW = NC * NS
CHUNK = 128


def _edge_agg(table, gidx2d, didx2d, zeros_pad, n_pad, d, n_chunks):
    rpt = n_pad // NS
    mesh = plsc.VectorSubcoreMesh(core_axis_name="c", subcore_axis_name="s")

    @functools.partial(
        pl.kernel,
        out_type=jax.ShapeDtypeStruct((NC, n_pad, d), jnp.float32),
        mesh=mesh,
        scratch_types=[
            pltpu.VMEM((n_chunks, CHUNK), jnp.int32),
            pltpu.VMEM((2, 8, CHUNK), jnp.int32),
            pltpu.VMEM((CHUNK, d), jnp.float32),
            pltpu.VMEM((CHUNK, d), jnp.float32),
            pltpu.VMEM_SHARED((n_pad, d), jnp.float32),
            pltpu.SemaphoreType.DMA,
            pltpu.SemaphoreType.DMA,
            pltpu.SemaphoreType.DMA,
        ],
    )
    def agg(table_hbm, gidx_hbm, didx_hbm, zeros_hbm, out_hbm,
            gidx_v, dring, rows_a, rows_b, acc,
            sem_ga, sem_gb, sem_i):
        c = lax.axis_index("c")
        s = lax.axis_index("s")
        wid = s * NC + c
        pltpu.sync_copy(gidx_hbm.at[pl.ds(wid * n_chunks, n_chunks)], gidx_v)
        pltpu.async_copy(table_hbm.at[gidx_v.at[0]], rows_a, sem_ga)
        pltpu.sync_copy(didx_hbm.at[pl.ds(wid * n_chunks, 8)], dring.at[0])
        pltpu.sync_copy(zeros_hbm.at[pl.ds(s * rpt, rpt)],
                        acc.at[pl.ds(s * rpt, rpt)])
        plsc.subcore_barrier()


        def step(t, carry):
            j = 2 * t
            grp = t >> 2
            q = grp & 1

            @pl.when((t & 3) == 0)
            def _():
                @pl.when(t > 0)
                def _():
                    pltpu.make_async_copy(
                        didx_hbm.at[pl.ds(0, 8)], dring.at[0], sem_i).wait()

                @pl.when(j + 8 < n_chunks)
                def _():
                    off = pl.multiple_of(wid * n_chunks + j + 8, 8)
                    pltpu.async_copy(didx_hbm.at[pl.ds(off, 8)],
                                     dring.at[1 - q], sem_i)

            pltpu.async_copy(table_hbm.at[gidx_v.at[j + 1]], rows_b, sem_gb)
            pltpu.make_async_copy(table_hbm.at[gidx_v.at[0]], rows_a,
                                  sem_ga).wait()
            pltpu.sync_copy(rows_a, acc.at[dring.at[q, 2 * (t & 3)]],
                            add=True)

            @pl.when(j + 2 < n_chunks)
            def _():
                pltpu.async_copy(table_hbm.at[gidx_v.at[j + 2]], rows_a,
                                 sem_ga)

            pltpu.make_async_copy(table_hbm.at[gidx_v.at[0]], rows_b,
                                  sem_gb).wait()
            pltpu.sync_copy(rows_b, acc.at[dring.at[q, 2 * (t & 3) + 1]],
                            add=True)
            return carry

        lax.fori_loop(0, n_chunks // 2, step, 0)
        plsc.subcore_barrier()
        pltpu.sync_copy(acc.at[pl.ds(s * rpt, rpt)],
                        out_hbm.at[c, pl.ds(s * rpt, rpt)])

    return agg(table, gidx2d, didx2d, zeros_pad)


def _gather_rows(table, idx, d, per_w):
    g = idx.shape[0]
    mesh = plsc.VectorSubcoreMesh(core_axis_name="c", subcore_axis_name="s")

    @functools.partial(
        pl.kernel,
        out_type=jax.ShapeDtypeStruct((g, d), jnp.float32),
        mesh=mesh,
        scratch_types=[
            pltpu.VMEM((per_w,), jnp.int32),
            pltpu.VMEM((per_w, d), jnp.float32),
            pltpu.SemaphoreType.DMA,
        ],
    )
    def gat(table_hbm, idx_hbm, out_hbm, idx_v, rows_v, sem):
        wid = lax.axis_index("s") * NC + lax.axis_index("c")
        base = wid * per_w
        pltpu.sync_copy(idx_hbm.at[pl.ds(base, per_w)], idx_v)
        pltpu.async_copy(table_hbm.at[idx_v], rows_v, sem).wait()
        pltpu.sync_copy(rows_v, out_hbm.at[pl.ds(base, per_w)])

    return gat(table, idx)


def _mm_rm(x, wstack, bn):
    n, d = x.shape
    r = wstack.shape[0]

    def body(x_ref, w_ref, o_ref):
        xx = x_ref[...]
        for ri in range(r):
            o_ref[ri] = jnp.dot(xx, w_ref[ri],
                                preferred_element_type=jnp.float32)

    return pl.pallas_call(
        body,
        grid=(n // bn,),
        in_specs=[pl.BlockSpec((bn, d), lambda ni: (ni, 0)),
                  pl.BlockSpec((r, d, d), lambda ni: (0, 0, 0))],
        out_specs=pl.BlockSpec((r, bn, d), lambda ni: (0, ni, 0)),
        out_shape=jax.ShapeDtypeStruct((r, n, d), jnp.float32),
    )(x, wstack)


def _mm_bias(x, w, b, bn):
    n, k = x.shape
    m = w.shape[1]

    def body(x_ref, w_ref, b_ref, o_ref):
        o_ref[...] = jnp.dot(x_ref[...], w_ref[...],
                             preferred_element_type=jnp.float32) + b_ref[...]

    return pl.pallas_call(
        body,
        grid=(n // bn,),
        in_specs=[pl.BlockSpec((bn, k), lambda i: (i, 0)),
                  pl.BlockSpec((k, m), lambda i: (0, 0)),
                  pl.BlockSpec((1, m), lambda i: (0, 0))],
        out_specs=pl.BlockSpec((bn, m), lambda i: (i, 0)),
        out_shape=jax.ShapeDtypeStruct((n, m), jnp.float32),
    )(x, w, b)


def _layer1b_rm(parts, sl, wstack2, bn):
    n, d = sl.shape
    r = wstack2.shape[0]

    def body(p_ref, sl_ref, w_ref, o_ref):
        h = jnp.maximum(p_ref[0] + p_ref[1] + sl_ref[...], 0.0)
        for ri in range(r):
            o_ref[ri] = jnp.dot(h, w_ref[ri],
                                preferred_element_type=jnp.float32)

    return pl.pallas_call(
        body,
        grid=(n // bn,),
        in_specs=[pl.BlockSpec((2, bn, d), lambda ni: (0, ni, 0)),
                  pl.BlockSpec((bn, d), lambda ni: (ni, 0)),
                  pl.BlockSpec((r, d, d), lambda ni: (0, 0, 0))],
        out_specs=pl.BlockSpec((r, bn, d), lambda ni: (0, ni, 0)),
        out_shape=jax.ShapeDtypeStruct((r, n, d), jnp.float32),
    )(parts, sl, wstack2)


def _layer2(parts, ws2t, bs2, n, bn):
    d = parts.shape[2]

    def body(p_ref, w_ref, b_ref, o_ref):
        ssum = p_ref[0] + p_ref[1]
        o_ref[...] = ssum + jnp.dot(
            ssum, w_ref[...], preferred_element_type=jnp.float32) + b_ref[...]

    return pl.pallas_call(
        body,
        grid=(n // bn,),
        in_specs=[pl.BlockSpec((2, bn, d), lambda i: (0, i, 0)),
                  pl.BlockSpec((d, d), lambda i: (0, 0)),
                  pl.BlockSpec((1, d), lambda i: (0, 0))],
        out_specs=pl.BlockSpec((bn, d), lambda i: (i, 0)),
        out_shape=jax.ShapeDtypeStruct((n, d), jnp.float32),
    )(parts, ws2t, bs2)


def _mlp(g2, ws2t, bs2_row, wut, wmt, bp1, wp2t_pad, bp2_pad, user_row):
    gn, d = g2.shape
    half = gn // 2

    def body(g_ref, wi_ref, b2_ref, wu_ref, wm_ref, b1_ref, w2_ref, b3_ref,
             o_ref):
        ssum = g_ref[:half, :] + g_ref[half:, :]
        emb = ssum + jnp.dot(ssum, wi_ref[...],
                             preferred_element_type=jnp.float32) + b2_ref[...]
        u = jnp.dot(emb[user_row:user_row + 1, :], wu_ref[...],
                    preferred_element_type=jnp.float32)
        hidden = jnp.maximum(
            jnp.dot(emb, wm_ref[...], preferred_element_type=jnp.float32)
            + u + b1_ref[...], 0.0)
        o_ref[...] = jnp.dot(hidden, w2_ref[...],
                             preferred_element_type=jnp.float32) + b3_ref[...]

    return pl.pallas_call(
        body,
        out_shape=jax.ShapeDtypeStruct((half, d), jnp.float32),
    )(g2, ws2t, bs2_row, wut, wmt, bp1, wp2t_pad, bp2_pad)


def kernel(edge_index, edge_type, user_idx, movie_indices, node_emb,
           Wr1, Wr2, Ws1, bs1, Ws2, bs2, Wp1, bp1, Wp2, bp2):
    n, d = node_emb.shape
    e = edge_type.shape[0]
    r = Wr1.shape[0]
    m = movie_indices.shape[0]

    n_pad = 10240 if n == 10000 else ((n + NS * 64 - 1) // (NS * 64)) * NS * 64
    if n_pad <= n:
        n_pad = n + NS * 64
    bn = n // 5

    n_chunks = -(-e // (NW * CHUNK))
    n_chunks = ((n_chunks + 7) // 8) * 8
    e_pad = NW * CHUNK * n_chunks

    src = edge_index[0].astype(jnp.int32)
    dst = edge_index[1].astype(jnp.int32)
    et = edge_type.astype(jnp.int32)
    gidx = et * n + src
    pad_i = jnp.arange(e_pad - e, dtype=jnp.int32)
    gidx2d = jnp.concatenate(
        [gidx, pad_i % (n * r)]).reshape(NW * n_chunks, CHUNK)
    didx2d = jnp.concatenate(
        [dst, n + pad_i % (n_pad - n)]).reshape(NW * n_chunks, CHUNK)

    zeros_pad = jnp.zeros((n_pad, d), jnp.float32)

    wstack1 = Wr1.transpose(0, 2, 1)
    wstack2 = Wr2.transpose(0, 2, 1)

    table1 = _mm_rm(node_emb, wstack1, bn).reshape(r * n, d)
    sl1 = _mm_bias(node_emb, Ws1.T, bs1.reshape(1, d), bn)
    parts1 = _edge_agg(table1, gidx2d, didx2d, zeros_pad, n_pad, d, n_chunks)

    table2 = _layer1b_rm(parts1, sl1, wstack2, bn).reshape(r * n, d)
    parts2 = _edge_agg(table2, gidx2d, didx2d, zeros_pad, n_pad, d, n_chunks)

    hfinal = _layer2(parts2, Ws2.T, bs2.reshape(1, d), n, bn)

    g_rows = NW * (-(-(m + 1) // NW))
    g_rows = max(g_rows, NW)
    idx3 = jnp.concatenate([
        movie_indices.astype(jnp.int32),
        jnp.asarray(user_idx, jnp.int32).reshape(1),
        jnp.zeros((g_rows - m - 1,), jnp.int32),
    ])
    idx6 = jnp.concatenate([idx3, idx3 + n_pad])
    g2 = _gather_rows(parts2.reshape(NC * n_pad, d), idx6, d, 2 * g_rows // NW)

    wut = Wp1[:, :d].T
    wmt = Wp1[:, d:].T
    wp2t_pad = jnp.concatenate(
        [Wp2.T, jnp.zeros((d, d - 1), jnp.float32)], axis=1)
    bp2_pad = jnp.broadcast_to(bp2.reshape(1, 1), (1, d))
    scores_pad = _mlp(g2, Ws2.T, bs2.reshape(1, d), wut, wmt,
                      bp1.reshape(1, d), wp2t_pad, bp2_pad, m)

    return scores_pad[:m, 0], hfinal

# --- scband reference (transcript-rebuilt; emitter-appended) ---
"""Pipeline reference for scband-rgcnrecommender-25537875542201 (READ-ONLY COPY).

The authoritative reference and input builder live on the scoring server;
editing this copy changes nothing except your own understanding.
"""

import jax, jax.numpy as jnp
import numpy as np

N = 10000
E = 320000
R = 4
D = 128
M = 1000


def setup_inputs(seed: int = 0) -> dict:
    key = jax.random.key(seed)
    ks = jax.random.split(key, 16)
    inp = {}
    inp["edge_index"] = jax.random.randint(ks[0], (2, E), 0, N)
    inp["edge_type"] = jax.random.randint(ks[1], (E,), 0, R)
    inp["user_idx"] = 42
    inp["movie_indices"] = jax.random.randint(ks[2], (M,), 0, N)
    s = 0.05
    inp["node_emb"] = jax.random.normal(ks[3], (N, D), dtype=jnp.float32)
    inp["Wr1"] = jax.random.normal(ks[4], (R, D, D), dtype=jnp.float32) * s
    inp["Wr2"] = jax.random.normal(ks[5], (R, D, D), dtype=jnp.float32) * s
    inp["Ws1"] = jax.random.normal(ks[6], (D, D), dtype=jnp.float32) * s
    inp["bs1"] = jax.random.normal(ks[7], (D,), dtype=jnp.float32) * s
    inp["Ws2"] = jax.random.normal(ks[8], (D, D), dtype=jnp.float32) * s
    inp["bs2"] = jax.random.normal(ks[9], (D,), dtype=jnp.float32) * s
    inp["Wp1"] = jax.random.normal(ks[10], (D, 2 * D), dtype=jnp.float32) * s
    inp["bp1"] = jax.random.normal(ks[11], (D,), dtype=jnp.float32) * s
    inp["Wp2"] = jax.random.normal(ks[12], (1, D), dtype=jnp.float32) * s
    inp["bp2"] = jax.random.normal(ks[13], (1,), dtype=jnp.float32) * s
    return inp


def _aggregate(x, edge_index, edge_type, Wr):
    # Faithful RGCN aggregation: per-relation transform of src embeddings,
    # scatter-add into dst nodes. Masking replaces dynamic-shape boolean
    # indexing (zero contributions are mathematically identical).
    src = edge_index[0]
    dst = edge_index[1]
    src_embs = x[src]
    out = jnp.zeros_like(x)
    for r in range(R):
        mask = (edge_type == r).astype(x.dtype)
        transformed = (src_embs * mask[:, None]) @ Wr[r].T
        out = out.at[dst].add(transformed)
    return out


def reference(edge_index, edge_type, user_idx, movie_indices, node_emb,
              Wr1, Wr2, Ws1, bs1, Ws2, bs2, Wp1, bp1, Wp2, bp2):
    x = node_emb
    h = _aggregate(x, edge_index, edge_type, Wr1)
    h = h + (x @ Ws1.T + bs1)
    h = jax.nn.relu(h)
    # dropout p=0.2 is identity in eval mode
    h = _aggregate(h, edge_index, edge_type, Wr2)
    h = h + (h @ Ws2.T + bs2)
    user_emb = jnp.broadcast_to(h[user_idx][None, :], (movie_indices.shape[0], D))
    movie_embs = h[movie_indices]
    combined = jnp.concatenate([user_emb, movie_embs], axis=1)
    hidden = jax.nn.relu(combined @ Wp1.T + bp1)
    # dropout p=0.2 identity in eval
    scores = (hidden @ Wp2.T + bp2).squeeze()
    return scores, h

if __name__ == "__main__":
    import jax
    _d = setup_inputs()
    print(jax.jit(kernel)(*tuple(_d.values())))

</pallas_src>

<mosaic_0001>
#map = affine_map<(d0, d1) -> (0, 0)>
#map1 = affine_map<(d0, d1) -> (0, 0, 0)>
module attributes {stable_mosaic.version = 14 : i64} {
  func.func @agg(%arg0: i32, %arg1: i32, %arg2: memref<40000x128xf32, #tpu.memory_space<hbm>>, %arg3: memref<2560x128xi32, #tpu.memory_space<hbm>>, %arg4: memref<2560x128xi32, #tpu.memory_space<hbm>>, %arg5: memref<10240x128xf32, #tpu.memory_space<hbm>>, %arg6: memref<2x10240x128xf32, #tpu.memory_space<hbm>>, %arg7: memref<80x128xi32, #tpu.memory_space<vmem>>, %arg8: memref<2x8x128xi32, #tpu.memory_space<vmem>>, %arg9: memref<128x128xf32, #tpu.memory_space<vmem>>, %arg10: memref<128x128xf32, #tpu.memory_space<vmem>>, %arg11: memref<10240x128xf32, #tpu.memory_space<vmem_shared>>, %arg12: memref<!tpu.dma_semaphore, #tpu.memory_space<semaphore_mem>>, %arg13: memref<!tpu.dma_semaphore, #tpu.memory_space<semaphore_mem>>, %arg14: memref<!tpu.dma_semaphore, #tpu.memory_space<semaphore_mem>>) attributes {dimension_semantics = [#tpu.dimension_semantics<core_parallel>, #tpu.dimension_semantics<subcore_parallel>], iteration_bounds = array<i64: 2, 16>, scalar_prefetch = 0 : i64, scratch_operands = 8 : i64, tpu.core_type = #tpu.core_type<sc_vector_subcore>, window_params = [{transform_indices = #map}, {transform_indices = #map}, {transform_indices = #map}, {transform_indices = #map}, {transform_indices = #map1}]} {
    %mul3A = arith.constant 2 : i32
    %mul3A_0 = arith.muli %arg1, %mul3A : i32
    %add3A = arith.addi %mul3A_0, %arg0 : i32
    %mul3A_1 = arith.constant 80 : i32
    %mul3A_2 = arith.muli %add3A, %mul3A_1 : i32
    "tpu.region"() ({
      %run_scoped3A_25 = tpu.sem_alloc : memref<!tpu.dma_semaphore, #tpu.memory_space<semaphore_mem>>
      %dma_start3A_26 = arith.constant 0 : i32
      %dma_start3A_27 = tpu.memref_slice %arg3[%mul3A_2, %dma_start3A_26] : memref<2560x128xi32, #tpu.memory_space<hbm>> -> memref<80x128xi32, #tpu.memory_space<hbm>>
      %dma_start3A_28 = arith.constant 0 : i32
      %dma_start3A_29 = tpu.memref_slice %arg3[%mul3A_2, %dma_start3A_28] : memref<2560x128xi32, #tpu.memory_space<hbm>> -> memref<80x128xi32, #tpu.memory_space<hbm>>
      tpu.enqueue_dma source(%dma_start3A_29 : memref<80x128xi32, #tpu.memory_space<hbm>>) target(%arg7 : memref<80x128xi32, #tpu.memory_space<vmem>>) target_semaphore(%run_scoped3A_25 : memref<!tpu.dma_semaphore, #tpu.memory_space<semaphore_mem>>)
      %dma_wait3A = arith.constant 0 : i32
      %dma_wait3A_30 = tpu.memref_slice %arg3[%mul3A_2, %dma_wait3A] : memref<2560x128xi32, #tpu.memory_space<hbm>> -> memref<80x128xi32, #tpu.memory_space<hbm>>
      %dma_wait3A_31 = arith.constant 0 : i32
      %dma_wait3A_32 = tpu.memref_slice %arg3[%mul3A_2, %dma_wait3A_31] : memref<2560x128xi32, #tpu.memory_space<hbm>> -> memref<80x128xi32, #tpu.memory_space<hbm>>
      tpu.wait_dma2 semaphore(%run_scoped3A_25 : memref<!tpu.dma_semaphore, #tpu.memory_space<semaphore_mem>>) src(%dma_wait3A_32 : memref<80x128xi32, #tpu.memory_space<hbm>>) dst(%arg7 : memref<80x128xi32, #tpu.memory_space<vmem>>)
      tpu.yield
    }) : () -> ()
    %dma_start3A = arith.constant 0 : i32
    %dma_start3A_3 = arith.constant 0 : i32
    %dma_start3A_4 = tpu.memref_slice %arg7[%dma_start3A, %dma_start3A_3] : memref<80x128xi32, #tpu.memory_space<vmem>> -> memref<1x128xi32, #tpu.memory_space<vmem>>
    %dma_start3A_5 = tpu.memref_squeeze %dma_start3A_4 : memref<1x128xi32, #tpu.memory_space<vmem>> -> memref<128xi32, #tpu.memory_space<vmem>>
    %dma_start3A_6 = arith.constant 0 : i32
    %dma_start3A_7 = arith.constant 0 : i32
    %dma_start3A_8 = tpu.memref_slice %arg2[%dma_start3A_6, %dma_start3A_7] : memref<40000x128xf32, #tpu.memory_space<hbm>> -> memref<40000x128xf32, #tpu.memory_space<hbm>>
    tpu.enqueue_indirect_dma source(%dma_start3A_8 : memref<40000x128xf32, #tpu.memory_space<hbm>>) target(%arg9 : memref<128x128xf32, #tpu.memory_space<vmem>>) offsets(%dma_start3A_5 : memref<128xi32, #tpu.memory_space<vmem>>) semaphore(%arg12 : memref<!tpu.dma_semaphore, #tpu.memory_space<semaphore_mem>>)
    %mul3A_9 = arith.constant 80 : i32
    %mul3A_10 = arith.muli %add3A, %mul3A_9 : i32
    %run_scoped3A = arith.constant 0 : i32
    "tpu.region"() ({
      %run_scoped3A_25 = tpu.sem_alloc : memref<!tpu.dma_semaphore, #tpu.memory_space<semaphore_mem>>
      %dma_start3A_26 = arith.constant 0 : i32
      %dma_start3A_27 = arith.constant 0 : i32
      %dma_start3A_28 = tpu.memref_slice %arg8[%run_scoped3A, %dma_start3A_26, %dma_start3A_27] : memref<2x8x128xi32, #tpu.memory_space<vmem>> -> memref<1x8x128xi32, #tpu.memory_space<vmem>>
      %dma_start3A_29 = tpu.memref_squeeze %dma_start3A_28 : memref<1x8x128xi32, #tpu.memory_space<vmem>> -> memref<8x128xi32, #tpu.memory_space<vmem>>
      %dma_start3A_30 = arith.constant 0 : i32
      %dma_start3A_31 = tpu.memref_slice %arg4[%mul3A_10, %dma_start3A_30] : memref<2560x128xi32, #tpu.memory_space<hbm>> -> memref<8x128xi32, #tpu.memory_space<hbm>>
      %dma_start3A_32 = arith.constant 0 : i32
      %dma_start3A_33 = arith.constant 0 : i32
      %dma_start3A_34 = tpu.memref_slice %arg8[%run_scoped3A, %dma_start3A_32, %dma_start3A_33] : memref<2x8x128xi32, #tpu.memory_space<vmem>> -> memref<1x8x128xi32, #tpu.memory_space<vmem>>
      %dma_start3A_35 = tpu.memref_squeeze %dma_start3A_34 : memref<1x8x128xi32, #tpu.memory_space<vmem>> -> memref<8x128xi32, #tpu.memory_space<vmem>>
      %dma_start3A_36 = arith.constant 0 : i32
      %dma_start3A_37 = tpu.memref_slice %arg4[%mul3A_10, %dma_start3A_36] : memref<2560x128xi32, #tpu.memory_space<hbm>> -> memref<8x128xi32, #tpu.memory_space<hbm>>
      tpu.enqueue_dma source(%dma_start3A_37 : memref<8x128xi32, #tpu.memory_space<hbm>>) target(%dma_start3A_35 : memref<8x128xi32, #tpu.memory_space<vmem>>) target_semaphore(%run_scoped3A_25 : memref<!tpu.dma_semaphore, #tpu.memory_space<semaphore_mem>>)
      %dma_wait3A = arith.constant 0 : i32
      %dma_wait3A_38 = arith.constant 0 : i32
      %dma_wait3A_39 = tpu.memref_slice %arg8[%run_scoped3A, %dma_wait3A, %dma_wait3A_38] : memref<2x8x128xi32, #tpu.memory_space<vmem>> -> memref<1x8x128xi32, #tpu.memory_space<vmem>>
      %dma_wait3A_40 = tpu.memref_squeeze %dma_wait3A_39 : memref<1x8x128xi32, #tpu.memory_space<vmem>> -> memref<8x128xi32, #tpu.memory_space<vmem>>
      %dma_wait3A_41 = arith.constant 0 : i32
      %dma_wait3A_42 = tpu.memref_slice %arg4[%mul3A_10, %dma_wait3A_41] : memref<2560x128xi32, #tpu.memory_space<hbm>> -> memref<8x128xi32, #tpu.memory_space<hbm>>
      %dma_wait3A_43 = arith.constant 0 : i32
      %dma_wait3A_44 = arith.constant 0 : i32
      %dma_wait3A_45 = tpu.memref_slice %arg8[%run_scoped3A, %dma_wait3A_43, %dma_wait3A_44] : memref<2x8x128xi32, #tpu.memory_space<vmem>> -> memref<1x8x128xi32, #tpu.memory_space<vmem>>
      %dma_wait3A_46 = tpu.memref_squeeze %dma_wait3A_45 : memref<1x8x128xi32, #tpu.memory_space<vmem>> -> memref<8x128xi32, #tpu.memory_space<vmem>>
      %dma_wait3A_47 = arith.constant 0 : i32
      %dma_wait3A_48 = tpu.memref_slice %arg4[%mul3A_10, %dma_wait3A_47] : memref<2560x128xi32, #tpu.memory_space<hbm>> -> memref<8x128xi32, #tpu.memory_space<hbm>>
      tpu.wait_dma2 semaphore(%run_scoped3A_25 : memref<!tpu.dma_semaphore, #tpu.memory_space<semaphore_mem>>) src(%dma_wait3A_48 : memref<8x128xi32, #tpu.memory_space<hbm>>) dst(%dma_wait3A_46 : memref<8x128xi32, #tpu.memory_space<vmem>>)
      tpu.yield
    }) : () -> ()
    %mul3A_11 = arith.constant 640 : i32
    %mul3A_12 = arith.muli %arg1, %mul3A_11 : i32
    %mul3A_13 = arith.constant 640 : i32
    %mul3A_14 = arith.muli %arg1, %mul3A_13 : i32
    "tpu.region"() ({
      %run_scoped3A_25 = tpu.sem_alloc : memref<!tpu.dma_semaphore, #tpu.memory_space<semaphore_mem>>
      %dma_start3A_26 = arith.constant 0 : i32
      %dma_start3A_27 = tpu.memref_slice %arg11[%mul3A_14, %dma_start3A_26] : memref<10240x128xf32, #tpu.memory_space<vmem_shared>> -> memref<640x128xf32, #tpu.memory_space<vmem_shared>>
      %dma_start3A_28 = arith.constant 0 : i32
      %dma_start3A_29 = tpu.memref_slice %arg5[%mul3A_12, %dma_start3A_28] : memref<10240x128xf32, #tpu.memory_space<hbm>> -> memref<640x128xf32, #tpu.memory_space<hbm>>
      tpu.enqueue_dma source(%dma_start3A_29 : memref<640x128xf32, #tpu.memory_space<hbm>>) target(%dma_start3A_27 : memref<640x128xf32, #tpu.memory_space<vmem_shared>>) target_semaphore(%run_scoped3A_25 : memref<!tpu.dma_semaphore, #tpu.memory_space<semaphore_mem>>)
      %dma_wait3A = arith.constant 0 : i32
      %dma_wait3A_30 = tpu.memref_slice %arg11[%mul3A_14, %dma_wait3A] : memref<10240x128xf32, #tpu.memory_space<vmem_shared>> -> memref<640x128xf32, #tpu.memory_space<vmem_shared>>
      %dma_wait3A_31 = arith.constant 0 : i32
      %dma_wait3A_32 = tpu.memref_slice %arg5[%mul3A_12, %dma_wait3A_31] : memref<10240x128xf32, #tpu.memory_space<hbm>> -> memref<640x128xf32, #tpu.memory_space<hbm>>
      tpu.wait_dma2 semaphore(%run_scoped3A_25 : memref<!tpu.dma_semaphore, #tpu.memory_space<semaphore_mem>>) src(%dma_wait3A_32 : memref<640x128xf32, #tpu.memory_space<hbm>>) dst(%dma_wait3A_30 : memref<640x128xf32, #tpu.memory_space<vmem_shared>>)
      tpu.yield
    }) : () -> ()
    %barrier3A = arith.constant 0 : index
    tpu.barrier barrier_id(%barrier3A)
    %scan3A = arith.constant 0 : i32
    %scan3A_15 = arith.constant 0 : i32
    %scan3A_16 = arith.constant 40 : i32
    %scan3A_17 = arith.addi %scan3A_15, %scan3A_16 : i32
    %scan3A_18 = arith.constant 1 : i32
    scf.for %scan3A_25 = %scan3A_15 to %scan3A_17 step %scan3A_18  : i32 {
      %mul3A_26 = arith.constant 2 : i32
      %mul3A_27 = arith.muli %mul3A_26, %scan3A_25 : i32
      %shift_right_arithmetic3A = arith.constant 2 : i32
      %shift_right_arithmetic3A_28 = arith.shrsi %scan3A_25, %shift_right_arithmetic3A : i32
      %and3A = arith.constant 1 : i32
      %and3A_29 = arith.andi %shift_right_arithmetic3A_28, %and3A : i32
      %and3A_30 = arith.constant 3 : i32
      %and3A_31 = arith.andi %scan3A_25, %and3A_30 : i32
      %eq3A = arith.constant 0 : i32
      %eq3A_32 = arith.cmpi eq, %and3A_31, %eq3A : i32
      %convert_element_type3A = arith.extui %eq3A_32 : i1 to i32
      %cond3A = arith.constant 0 : i32
      %cond3A_33 = arith.cmpi ne, %convert_element_type3A, %cond3A : i32
      scf.if %cond3A_33 {
        %gt3A = arith.constant 0 : i32
        %gt3A_71 = arith.cmpi sgt, %scan3A_25, %gt3A : i32
        %convert_element_type3A_72 = arith.extui %gt3A_71 : i1 to i32
        %cond3A_73 = arith.constant 0 : i32
        %cond3A_74 = arith.cmpi ne, %convert_element_type3A_72, %cond3A_73 : i32
        scf.if %cond3A_74 {
          %dma_wait3A_82 = arith.constant 0 : i32
          %dma_wait3A_83 = arith.constant 0 : i32
          %dma_wait3A_84 = arith.constant 0 : i32
          %dma_wait3A_85 = tpu.memref_slice %arg8[%dma_wait3A_82, %dma_wait3A_83, %dma_wait3A_84] : memref<2x8x128xi32, #tpu.memory_space<vmem>> -> memref<1x8x128xi32, #tpu.memory_space<vmem>>
          %dma_wait3A_86 = tpu.memref_squeeze %dma_wait3A_85 : memref<1x8x128xi32, #tpu.memory_space<vmem>> -> memref<8x128xi32, #tpu.memory_space<vmem>>
          %dma_wait3A_87 = arith.constant 0 : i32
          %dma_wait3A_88 = arith.constant 0 : i32
          %dma_wait3A_89 = tpu.memref_slice %arg4[%dma_wait3A_87, %dma_wait3A_88] : memref<2560x128xi32, #tpu.memory_space<hbm>> -> memref<8x128xi32, #tpu.memory_space<hbm>>
          %dma_wait3A_90 = arith.constant 0 : i32
          %dma_wait3A_91 = arith.constant 0 : i32
          %dma_wait3A_92 = tpu.memref_slice %arg8[%dma_wait3A_82, %dma_wait3A_90, %dma_wait3A_91] : memref<2x8x128xi32, #tpu.memory_space<vmem>> -> memref<1x8x128xi32, #tpu.memory_space<vmem>>
          %dma_wait3A_93 = tpu.memref_squeeze %dma_wait3A_92 : memref<1x8x128xi32, #tpu.memory_space<vmem>> -> memref<8x128xi32, #tpu.memory_space<vmem>>
          %dma_wait3A_94 = arith.constant 0 : i32
          %dma_wait3A_95 = arith.constant 0 : i32
          %dma_wait3A_96 = tpu.memref_slice %arg4[%dma_wait3A_94, %dma_wait3A_95] : memref<2560x128xi32, #tpu.memory_space<hbm>> -> memref<8x128xi32, #tpu.memory_space<hbm>>
          tpu.wait_dma2 semaphore(%arg14 : memref<!tpu.dma_semaphore, #tpu.memory_space<semaphore_mem>>) src(%dma_wait3A_96 : memref<8x128xi32, #tpu.memory_space<hbm>>) dst(%dma_wait3A_93 : memref<8x128xi32, #tpu.memory_space<vmem>>)
        } else {
        }
        %add3A_75 = arith.constant 8 : i32
        %add3A_76 = arith.addi %mul3A_27, %add3A_75 : i32
        %lt3A_77 = arith.constant 80 : i32
        %lt3A_78 = arith.cmpi slt, %add3A_76, %lt3A_77 : i32
        %convert_element_type3A_79 = arith.extui %lt3A_78 : i1 to i32
        %cond3A_80 = arith.constant 0 : i32
        %cond3A_81 = arith.cmpi ne, %convert_element_type3A_79, %cond3A_80 : i32
        scf.if %cond3A_81 {
          %mul3A_82 = arith.constant 80 : i32
          %mul3A_83 = arith.muli %add3A, %mul3A_82 : i32
          %add3A_84 = arith.addi %mul3A_83, %mul3A_27 : i32
          %add3A_85 = arith.constant 8 : i32
          %add3A_86 = arith.addi %add3A_84, %add3A_85 : i32
          %multiple_of3A = tpu.assume_multiple %add3A_86, 8 : i32
          %sub3A = arith.constant 1 : i32
          %sub3A_87 = arith.subi %sub3A, %and3A_29 : i32
          %dma_start3A_88 = arith.constant 0 : i32
          %dma_start3A_89 = arith.constant 0 : i32
          %dma_start3A_90 = tpu.memref_slice %arg8[%sub3A_87, %dma_start3A_88, %dma_start3A_89] : memref<2x8x128xi32, #tpu.memory_space<vmem>> -> memref<1x8x128xi32, #tpu.memory_space<vmem>>
          %dma_start3A_91 = tpu.memref_squeeze %dma_start3A_90 : memref<1x8x128xi32, #tpu.memory_space<vmem>> -> memref<8x128xi32, #tpu.memory_space<vmem>>
          %dma_start3A_92 = arith.constant 0 : i32
          %dma_start3A_93 = tpu.memref_slice %arg4[%multiple_of3A, %dma_start3A_92] : memref<2560x128xi32, #tpu.memory_space<hbm>> -> memref<8x128xi32, #tpu.memory_space<hbm>>
          %dma_start3A_94 = arith.constant 0 : i32
          %dma_start3A_95 = arith.constant 0 : i32
          %dma_start3A_96 = tpu.memref_slice %arg8[%sub3A_87, %dma_start3A_94, %dma_start3A_95] : memref<2x8x128xi32, #tpu.memory_space<vmem>> -> memref<1x8x128xi32, #tpu.memory_space<vmem>>
          %dma_start3A_97 = tpu.memref_squeeze %dma_start3A_96 : memref<1x8x128xi32, #tpu.memory_space<vmem>> -> memref<8x128xi32, #tpu.memory_space<vmem>>
          %dma_start3A_98 = arith.constant 0 : i32
          %dma_start3A_99 = tpu.memref_slice %arg4[%multiple_of3A, %dma_start3A_98] : memref<2560x128xi32, #tpu.memory_space<hbm>> -> memref<8x128xi32, #tpu.memory_space<hbm>>
          tpu.enqueue_dma source(%dma_start3A_99 : memref<8x128xi32, #tpu.memory_space<hbm>>) target(%dma_start3A_97 : memref<8x128xi32, #tpu.memory_space<vmem>>) target_semaphore(%arg14 : memref<!tpu.dma_semaphore, #tpu.memory_space<semaphore_mem>>)
        } else {
        }
      } else {
      }
      %add3A_34 = arith.constant 1 : i32
      %add3A_35 = arith.addi %mul3A_27, %add3A_34 : i32
      %dma_start3A_36 = arith.constant 0 : i32
      %dma_start3A_37 = tpu.memref_slice %arg7[%add3A_35, %dma_start3A_36] : memref<80x128xi32, #tpu.memory_space<vmem>> -> memref<1x128xi32, #tpu.memory_space<vmem>>
      %dma_start3A_38 = tpu.memref_squeeze %dma_start3A_37 : memref<1x128xi32, #tpu.memory_space<vmem>> -> memref<128xi32, #tpu.memory_space<vmem>>
      %dma_start3A_39 = arith.constant 0 : i32
      %dma_start3A_40 = arith.constant 0 : i32
      %dma_start3A_41 = tpu.memref_slice %arg2[%dma_start3A_39, %dma_start3A_40] : memref<40000x128xf32, #tpu.memory_space<hbm>> -> memref<40000x128xf32, #tpu.memory_space<hbm>>
      tpu.enqueue_indirect_dma source(%dma_start3A_41 : memref<40000x128xf32, #tpu.memory_space<hbm>>) target(%arg10 : memref<128x128xf32, #tpu.memory_space<vmem>>) offsets(%dma_start3A_38 : memref<128xi32, #tpu.memory_space<vmem>>) semaphore(%arg13 : memref<!tpu.dma_semaphore, #tpu.memory_space<semaphore_mem>>)
      %dma_wait3A = arith.constant 0 : i32
      %dma_wait3A_42 = arith.constant 0 : i32
      %dma_wait3A_43 = tpu.memref_slice %arg7[%dma_wait3A, %dma_wait3A_42] : memref<80x128xi32, #tpu.memory_space<vmem>> -> memref<1x128xi32, #tpu.memory_space<vmem>>
      %dma_wait3A_44 = tpu.memref_squeeze %dma_wait3A_43 : memref<1x128xi32, #tpu.memory_space<vmem>> -> memref<128xi32, #tpu.memory_space<vmem>>
      %dma_wait3A_45 = arith.constant 0 : i32
      %dma_wait3A_46 = arith.constant 0 : i32
      %dma_wait3A_47 = tpu.memref_slice %arg2[%dma_wait3A_45, %dma_wait3A_46] : memref<40000x128xf32, #tpu.memory_space<hbm>> -> memref<40000x128xf32, #tpu.memory_space<hbm>>
      tpu.wait_indirect_dma semaphore(%arg12 : memref<!tpu.dma_semaphore, #tpu.memory_space<semaphore_mem>>) src(%dma_wait3A_47 : memref<40000x128xf32, #tpu.memory_space<hbm>>) dst(%arg9 : memref<128x128xf32, #tpu.memory_space<vmem>>)
      %and3A_48 = arith.constant 3 : i32
      %and3A_49 = arith.andi %scan3A_25, %and3A_48 : i32
      %mul3A_50 = arith.constant 2 : i32
      %mul3A_51 = arith.muli %mul3A_50, %and3A_49 : i32
      "tpu.region"() ({
        %run_scoped3A_71 = tpu.sem_alloc : memref<!tpu.dma_semaphore, #tpu.memory_space<semaphore_mem>>
        %dma_start3A_72 = arith.constant 0 : i32
        %dma_start3A_73 = tpu.memref_slice %arg8[%and3A_29, %mul3A_51, %dma_start3A_72] : memref<2x8x128xi32, #tpu.memory_space<vmem>> -> memref<1x1x128xi32, #tpu.memory_space<vmem>>
        %dma_start3A_74 = tpu.memref_squeeze %dma_start3A_73 : memref<1x1x128xi32, #tpu.memory_space<vmem>> -> memref<128xi32, #tpu.memory_space<vmem>>
        %dma_start3A_75 = arith.constant 0 : i32
        %dma_start3A_76 = arith.constant 0 : i32
        %dma_start3A_77 = tpu.memref_slice %arg11[%dma_start3A_75, %dma_start3A_76] : memref<10240x128xf32, #tpu.memory_space<vmem_shared>> -> memref<10240x128xf32, #tpu.memory_space<vmem_shared>>
        tpu.enqueue_indirect_dma source(%arg9 : memref<128x128xf32, #tpu.memory_space<vmem>>) target(%dma_start3A_77 : memref<10240x128xf32, #tpu.memory_space<vmem_shared>>) offsets(%dma_start3A_74 : memref<128xi32, #tpu.memory_space<vmem>>) semaphore(%run_scoped3A_71 : memref<!tpu.dma_semaphore, #tpu.memory_space<semaphore_mem>>) {add = true}
        %dma_wait3A_78 = arith.constant 0 : i32
        %dma_wait3A_79 = tpu.memref_slice %arg8[%and3A_29, %mul3A_51, %dma_wait3A_78] : memref<2x8x128xi32, #tpu.memory_space<vmem>> -> memref<1x1x128xi32, #tpu.memory_space<vmem>>
        %dma_wait3A_80 = tpu.memref_squeeze %dma_wait3A_79 : memref<1x1x128xi32, #tpu.memory_space<vmem>> -> memref<128xi32, #tpu.memory_space<vmem>>
        %dma_wait3A_81 = arith.constant 0 : i32
        %dma_wait3A_82 = arith.constant 0 : i32
        %dma_wait3A_83 = tpu.memref_slice %arg11[%dma_wait3A_81, %dma_wait3A_82] : memref<10240x128xf32, #tpu.memory_space<vmem_shared>> -> memref<10240x128xf32, #tpu.memory_space<vmem_shared>>
        tpu.wait_indirect_dma semaphore(%run_scoped3A_71 : memref<!tpu.dma_semaphore, #tpu.memory_space<semaphore_mem>>) src(%arg9 : memref<128x128xf32, #tpu.memory_space<vmem>>) dst(%dma_wait3A_83 : memref<10240x128xf32, #tpu.memory_space<vmem_shared>>)
        tpu.yield
      }) : () -> ()
      %add3A_52 = arith.constant 2 : i32
      %add3A_53 = arith.addi %mul3A_27, %add3A_52 : i32
      %lt3A = arith.constant 80 : i32
      %lt3A_54 = arith.cmpi slt, %add3A_53, %lt3A : i32
      %convert_element_type3A_55 = arith.extui %lt3A_54 : i1 to i32
      %cond3A_56 = arith.constant 0 : i32
      %cond3A_57 = arith.cmpi ne, %convert_element_type3A_55, %cond3A_56 : i32
      scf.if %cond3A_57 {
        %add3A_71 = arith.constant 2 : i32
        %add3A_72 = arith.addi %mul3A_27, %add3A_71 : i32
        %dma_start3A_73 = arith.constant 0 : i32
        %dma_start3A_74 = tpu.memref_slice %arg7[%add3A_72, %dma_start3A_73] : memref<80x128xi32, #tpu.memory_space<vmem>> -> memref<1x128xi32, #tpu.memory_space<vmem>>
        %dma_start3A_75 = tpu.memref_squeeze %dma_start3A_74 : memref<1x128xi32, #tpu.memory_space<vmem>> -> memref<128xi32, #tpu.memory_space<vmem>>
        %dma_start3A_76 = arith.constant 0 : i32
        %dma_start3A_77 = arith.constant 0 : i32
        %dma_start3A_78 = tpu.memref_slice %arg2[%dma_start3A_76, %dma_start3A_77] : memref<40000x128xf32, #tpu.memory_space<hbm>> -> memref<40000x128xf32, #tpu.memory_space<hbm>>
        tpu.enqueue_indirect_dma source(%dma_start3A_78 : memref<40000x128xf32, #tpu.memory_space<hbm>>) target(%arg9 : memref<128x128xf32, #tpu.memory_space<vmem>>) offsets(%dma_start3A_75 : memref<128xi32, #tpu.memory_space<vmem>>) semaphore(%arg12 : memref<!tpu.dma_semaphore, #tpu.memory_space<semaphore_mem>>)
      } else {
      }
      %dma_wait3A_58 = arith.constant 0 : i32
      %dma_wait3A_59 = arith.constant 0 : i32
      %dma_wait3A_60 = tpu.memref_slice %arg7[%dma_wait3A_58, %dma_wait3A_59] : memref<80x128xi32, #tpu.memory_space<vmem>> -> memref<1x128xi32, #tpu.memory_space<vmem>>
      %dma_wait3A_61 = tpu.memref_squeeze %dma_wait3A_60 : memref<1x128xi32, #tpu.memory_space<vmem>> -> memref<128xi32, #tpu.memory_space<vmem>>
      %dma_wait3A_62 = arith.constant 0 : i32
      %dma_wait3A_63 = arith.constant 0 : i32
      %dma_wait3A_64 = tpu.memref_slice %arg2[%dma_wait3A_62, %dma_wait3A_63] : memref<40000x128xf32, #tpu.memory_space<hbm>> -> memref<40000x128xf32, #tpu.memory_space<hbm>>
      tpu.wait_indirect_dma semaphore(%arg13 : memref<!tpu.dma_semaphore, #tpu.memory_space<semaphore_mem>>) src(%dma_wait3A_64 : memref<40000x128xf32, #tpu.memory_space<hbm>>) dst(%arg10 : memref<128x128xf32, #tpu.memory_space<vmem>>)
      %and3A_65 = arith.constant 3 : i32
      %and3A_66 = arith.andi %scan3A_25, %and3A_65 : i32
      %mul3A_67 = arith.constant 2 : i32
      %mul3A_68 = arith.muli %mul3A_67, %and3A_66 : i32
      %add3A_69 = arith.constant 1 : i32
      %add3A_70 = arith.addi %mul3A_68, %add3A_69 : i32
      "tpu.region"() ({
        %run_scoped3A_71 = tpu.sem_alloc : memref<!tpu.dma_semaphore, #tpu.memory_space<semaphore_mem>>
        %dma_start3A_72 = arith.constant 0 : i32
        %dma_start3A_73 = tpu.memref_slice %arg8[%and3A_29, %add3A_70, %dma_start3A_72] : memref<2x8x128xi32, #tpu.memory_space<vmem>> -> memref<1x1x128xi32, #tpu.memory_space<vmem>>
        %dma_start3A_74 = tpu.memref_squeeze %dma_start3A_73 : memref<1x1x128xi32, #tpu.memory_space<vmem>> -> memref<128xi32, #tpu.memory_space<vmem>>
        %dma_start3A_75 = arith.constant 0 : i32
        %dma_start3A_76 = arith.constant 0 : i32
        %dma_start3A_77 = tpu.memref_slice %arg11[%dma_start3A_75, %dma_start3A_76] : memref<10240x128xf32, #tpu.memory_space<vmem_shared>> -> memref<10240x128xf32, #tpu.memory_space<vmem_shared>>
        tpu.enqueue_indirect_dma source(%arg10 : memref<128x128xf32, #tpu.memory_space<vmem>>) target(%dma_start3A_77 : memref<10240x128xf32, #tpu.memory_space<vmem_shared>>) offsets(%dma_start3A_74 : memref<128xi32, #tpu.memory_space<vmem>>) semaphore(%run_scoped3A_71 : memref<!tpu.dma_semaphore, #tpu.memory_space<semaphore_mem>>) {add = true}
        %dma_wait3A_78 = arith.constant 0 : i32
        %dma_wait3A_79 = tpu.memref_slice %arg8[%and3A_29, %add3A_70, %dma_wait3A_78] : memref<2x8x128xi32, #tpu.memory_space<vmem>> -> memref<1x1x128xi32, #tpu.memory_space<vmem>>
        %dma_wait3A_80 = tpu.memref_squeeze %dma_wait3A_79 : memref<1x1x128xi32, #tpu.memory_space<vmem>> -> memref<128xi32, #tpu.memory_space<vmem>>
        %dma_wait3A_81 = arith.constant 0 : i32
        %dma_wait3A_82 = arith.constant 0 : i32
        %dma_wait3A_83 = tpu.memref_slice %arg11[%dma_wait3A_81, %dma_wait3A_82] : memref<10240x128xf32, #tpu.memory_space<vmem_shared>> -> memref<10240x128xf32, #tpu.memory_space<vmem_shared>>
        tpu.wait_indirect_dma semaphore(%run_scoped3A_71 : memref<!tpu.dma_semaphore, #tpu.memory_space<semaphore_mem>>) src(%arg10 : memref<128x128xf32, #tpu.memory_space<vmem>>) dst(%dma_wait3A_83 : memref<10240x128xf32, #tpu.memory_space<vmem_shared>>)
        tpu.yield
      }) : () -> ()
    }
    %scan3A_19 = arith.constant 40 : i32
    %barrier3A_20 = arith.constant 0 : index
    tpu.barrier barrier_id(%barrier3A_20)
    %mul3A_21 = arith.constant 640 : i32
    %mul3A_22 = arith.muli %arg1, %mul3A_21 : i32
    %mul3A_23 = arith.constant 640 : i32
    %mul3A_24 = arith.muli %arg1, %mul3A_23 : i32
    "tpu.region"() ({
      %run_scoped3A_25 = tpu.sem_alloc : memref<!tpu.dma_semaphore, #tpu.memory_space<semaphore_mem>>
      %dma_start3A_26 = arith.constant 0 : i32
      %dma_start3A_27 = tpu.memref_slice %arg6[%arg0, %mul3A_24, %dma_start3A_26] : memref<2x10240x128xf32, #tpu.memory_space<hbm>> -> memref<1x640x128xf32, #tpu.memory_space<hbm>>
      %dma_start3A_28 = tpu.memref_squeeze %dma_start3A_27 : memref<1x640x128xf32, #tpu.memory_space<hbm>> -> memref<640x128xf32, #tpu.memory_space<hbm>>
      %dma_start3A_29 = arith.constant 0 : i32
      %dma_start3A_30 = tpu.memref_slice %arg11[%mul3A_22, %dma_start3A_29] : memref<10240x128xf32, #tpu.memory_space<vmem_shared>> -> memref<640x128xf32, #tpu.memory_space<vmem_shared>>
      tpu.enqueue_dma source(%dma_start3A_30 : memref<640x128xf32, #tpu.memory_space<vmem_shared>>) target(%dma_start3A_28 : memref<640x128xf32, #tpu.memory_space<hbm>>) target_semaphore(%run_scoped3A_25 : memref<!tpu.dma_semaphore, #tpu.memory_space<semaphore_mem>>)
      %dma_wait3A = arith.constant 0 : i32
      %dma_wait3A_31 = tpu.memref_slice %arg6[%arg0, %mul3A_24, %dma_wait3A] : memref<2x10240x128xf32, #tpu.memory_space<hbm>> -> memref<1x640x128xf32, #tpu.memory_space<hbm>>
      %dma_wait3A_32 = tpu.memref_squeeze %dma_wait3A_31 : memref<1x640x128xf32, #tpu.memory_space<hbm>> -> memref<640x128xf32, #tpu.memory_space<hbm>>
      %dma_wait3A_33 = arith.constant 0 : i32
      %dma_wait3A_34 = tpu.memref_slice %arg11[%mul3A_22, %dma_wait3A_33] : memref<10240x128xf32, #tpu.memory_space<vmem_shared>> -> memref<640x128xf32, #tpu.memory_space<vmem_shared>>
      tpu.wait_dma2 semaphore(%run_scoped3A_25 : memref<!tpu.dma_semaphore, #tpu.memory_space<semaphore_mem>>) src(%dma_wait3A_34 : memref<640x128xf32, #tpu.memory_space<vmem_shared>>) dst(%dma_wait3A_32 : memref<640x128xf32, #tpu.memory_space<hbm>>)
      tpu.yield
    }) : () -> ()
    return
  }
}

#map = affine_map<(d0, d1) -> (0, 0)>
#map1 = affine_map<(d0, d1) -> (0)>
module attributes {stable_mosaic.version = 14 : i64} {
  func.func @gat(%arg0: i32, %arg1: i32, %arg2: memref<20480x128xf32, #tpu.memory_space<hbm>>, %arg3: memref<2048xi32, #tpu.memory_space<hbm>>, %arg4: memref<2048x128xf32, #tpu.memory_space<hbm>>, %arg5: memref<64xi32, #tpu.memory_space<vmem>>, %arg6: memref<64x128xf32, #tpu.memory_space<vmem>>, %arg7: memref<!tpu.dma_semaphore, #tpu.memory_space<semaphore_mem>>) attributes {dimension_semantics = [#tpu.dimension_semantics<core_parallel>, #tpu.dimension_semantics<subcore_parallel>], iteration_bounds = array<i64: 2, 16>, scalar_prefetch = 0 : i64, scratch_operands = 3 : i64, tpu.core_type = #tpu.core_type<sc_vector_subcore>, window_params = [{transform_indices = #map}, {transform_indices = #map1}, {transform_indices = #map}]} {
    %mul3A = arith.constant 2 : i32
    %mul3A_0 = arith.muli %arg1, %mul3A : i32
    %add3A = arith.addi %mul3A_0, %arg0 : i32
    %mul3A_1 = arith.constant 64 : i32
    %mul3A_2 = arith.muli %add3A, %mul3A_1 : i32
    "tpu.region"() ({
      %run_scoped3A = tpu.sem_alloc : memref<!tpu.dma_semaphore, #tpu.memory_space<semaphore_mem>>
      %dma_start3A_7 = tpu.memref_slice %arg3[%mul3A_2] : memref<2048xi32, #tpu.memory_space<hbm>> -> memref<64xi32, #tpu.memory_space<hbm>>
      %dma_start3A_8 = tpu.memref_slice %arg3[%mul3A_2] : memref<2048xi32, #tpu.memory_space<hbm>> -> memref<64xi32, #tpu.memory_space<hbm>>
      tpu.enqueue_dma source(%dma_start3A_8 : memref<64xi32, #tpu.memory_space<hbm>>) target(%arg5 : memref<64xi32, #tpu.memory_space<vmem>>) target_semaphore(%run_scoped3A : memref<!tpu.dma_semaphore, #tpu.memory_space<semaphore_mem>>)
      %dma_wait3A_9 = tpu.memref_slice %arg3[%mul3A_2] : memref<2048xi32, #tpu.memory_space<hbm>> -> memref<64xi32, #tpu.memory_space<hbm>>
      %dma_wait3A_10 = tpu.memref_slice %arg3[%mul3A_2] : memref<2048xi32, #tpu.memory_space<hbm>> -> memref<64xi32, #tpu.memory_space<hbm>>
      tpu.wait_dma2 semaphore(%run_scoped3A : memref<!tpu.dma_semaphore, #tpu.memory_space<semaphore_mem>>) src(%dma_wait3A_10 : memref<64xi32, #tpu.memory_space<hbm>>) dst(%arg5 : memref<64xi32, #tpu.memory_space<vmem>>)
      tpu.yield
    }) : () -> ()
    %dma_start3A = arith.constant 0 : i32
    %dma_start3A_3 = arith.constant 0 : i32
    %dma_start3A_4 = tpu.memref_slice %arg2[%dma_start3A, %dma_start3A_3] : memref<20480x128xf32, #tpu.memory_space<hbm>> -> memref<20480x128xf32, #tpu.memory_space<hbm>>
    tpu.enqueue_indirect_dma source(%dma_start3A_4 : memref<20480x128xf32, #tpu.memory_space<hbm>>) target(%arg6 : memref<64x128xf32, #tpu.memory_space<vmem>>) offsets(%arg5 : memref<64xi32, #tpu.memory_space<vmem>>) semaphore(%arg7 : memref<!tpu.dma_semaphore, #tpu.memory_space<semaphore_mem>>)
    %dma_wait3A = arith.constant 0 : i32
    %dma_wait3A_5 = arith.constant 0 : i32
    %dma_wait3A_6 = tpu.memref_slice %arg2[%dma_wait3A, %dma_wait3A_5] : memref<20480x128xf32, #tpu.memory_space<hbm>> -> memref<20480x128xf32, #tpu.memory_space<hbm>>
    tpu.wait_indirect_dma semaphore(%arg7 : memref<!tpu.dma_semaphore, #tpu.memory_space<semaphore_mem>>) src(%dma_wait3A_6 : memref<20480x128xf32, #tpu.memory_space<hbm>>) dst(%arg6 : memref<64x128xf32, #tpu.memory_space<vmem>>)
    "tpu.region"() ({
      %run_scoped3A = tpu.sem_alloc : memref<!tpu.dma_semaphore, #tpu.memory_space<semaphore_mem>>
      %dma_start3A_7 = arith.constant 0 : i32
      %dma_start3A_8 = tpu.memref_slice %arg4[%mul3A_2, %dma_start3A_7] : memref<2048x128xf32, #tpu.memory_space<hbm>> -> memref<64x128xf32, #tpu.memory_space<hbm>>
      %dma_start3A_9 = arith.constant 0 : i32
      %dma_start3A_10 = tpu.memref_slice %arg4[%mul3A_2, %dma_start3A_9] : memref<2048x128xf32, #tpu.memory_space<hbm>> -> memref<64x128xf32, #tpu.memory_space<hbm>>
      tpu.enqueue_dma source(%arg6 : memref<64x128xf32, #tpu.memory_space<vmem>>) target(%dma_start3A_10 : memref<64x128xf32, #tpu.memory_space<hbm>>) target_semaphore(%run_scoped3A : memref<!tpu.dma_semaphore, #tpu.memory_space<semaphore_mem>>)
      %dma_wait3A_11 = arith.constant 0 : i32
      %dma_wait3A_12 = tpu.memref_slice %arg4[%mul3A_2, %dma_wait3A_11] : memref<2048x128xf32, #tpu.memory_space<hbm>> -> memref<64x128xf32, #tpu.memory_space<hbm>>
      %dma_wait3A_13 = arith.constant 0 : i32
      %dma_wait3A_14 = tpu.memref_slice %arg4[%mul3A_2, %dma_wait3A_13] : memref<2048x128xf32, #tpu.memory_space<hbm>> -> memref<64x128xf32, #tpu.memory_space<hbm>>
      tpu.wait_dma2 semaphore(%run_scoped3A : memref<!tpu.dma_semaphore, #tpu.memory_space<semaphore_mem>>) src(%arg6 : memref<64x128xf32, #tpu.memory_space<vmem>>) dst(%dma_wait3A_14 : memref<64x128xf32, #tpu.memory_space<hbm>>)
      tpu.yield
    }) : () -> ()
    return
  }
}

#map = affine_map<(d0, d1) -> (0, 0)>
#map1 = affine_map<(d0, d1) -> (0, 0, 0)>
module attributes {stable_mosaic.version = 14 : i64} {
  func.func @agg(%arg0: i32, %arg1: i32, %arg2: memref<40000x128xf32, #tpu.memory_space<hbm>>, %arg3: memref<2560x128xi32, #tpu.memory_space<hbm>>, %arg4: memref<2560x128xi32, #tpu.memory_space<hbm>>, %arg5: memref<10240x128xf32, #tpu.memory_space<hbm>>, %arg6: memref<2x10240x128xf32, #tpu.memory_space<hbm>>, %arg7: memref<80x128xi32, #tpu.memory_space<vmem>>, %arg8: memref<2x8x128xi32, #tpu.memory_space<vmem>>, %arg9: memref<128x128xf32, #tpu.memory_space<vmem>>, %arg10: memref<128x128xf32, #tpu.memory_space<vmem>>, %arg11: memref<10240x128xf32, #tpu.memory_space<vmem_shared>>, %arg12: memref<!tpu.dma_semaphore, #tpu.memory_space<semaphore_mem>>, %arg13: memref<!tpu.dma_semaphore, #tpu.memory_space<semaphore_mem>>, %arg14: memref<!tpu.dma_semaphore, #tpu.memory_space<semaphore_mem>>) attributes {dimension_semantics = [#tpu.dimension_semantics<core_parallel>, #tpu.dimension_semantics<subcore_parallel>], iteration_bounds = array<i64: 2, 16>, scalar_prefetch = 0 : i64, scratch_operands = 8 : i64, tpu.core_type = #tpu.core_type<sc_vector_subcore>, window_params = [{transform_indices = #map}, {transform_indices = #map}, {transform_indices = #map}, {transform_indices = #map}, {transform_indices = #map1}]} {
    %mul3A = arith.constant 2 : i32
    %mul3A_0 = arith.muli %arg1, %mul3A : i32
    %add3A = arith.addi %mul3A_0, %arg0 : i32
    %mul3A_1 = arith.constant 80 : i32
    %mul3A_2 = arith.muli %add3A, %mul3A_1 : i32
    "tpu.region"() ({
      %run_scoped3A_25 = tpu.sem_alloc : memref<!tpu.dma_semaphore, #tpu.memory_space<semaphore_mem>>
      %dma_start3A_26 = arith.constant 0 : i32
      %dma_start3A_27 = tpu.memref_slice %arg3[%mul3A_2, %dma_start3A_26] : memref<2560x128xi32, #tpu.memory_space<hbm>> -> memref<80x128xi32, #tpu.memory_space<hbm>>
      %dma_start3A_28 = arith.constant 0 : i32
      %dma_start3A_29 = tpu.memref_slice %arg3[%mul3A_2, %dma_start3A_28] : memref<2560x128xi32, #tpu.memory_space<hbm>> -> memref<80x128xi32, #tpu.memory_space<hbm>>
      tpu.enqueue_dma source(%dma_start3A_29 : memref<80x128xi32, #tpu.memory_space<hbm>>) target(%arg7 : memref<80x128xi32, #tpu.memory_space<vmem>>) target_semaphore(%run_scoped3A_25 : memref<!tpu.dma_semaphore, #tpu.memory_space<semaphore_mem>>)
      %dma_wait3A = arith.constant 0 : i32
      %dma_wait3A_30 = tpu.memref_slice %arg3[%mul3A_2, %dma_wait3A] : memref<2560x128xi32, #tpu.memory_space<hbm>> -> memref<80x128xi32, #tpu.memory_space<hbm>>
      %dma_wait3A_31 = arith.constant 0 : i32
      %dma_wait3A_32 = tpu.memref_slice %arg3[%mul3A_2, %dma_wait3A_31] : memref<2560x128xi32, #tpu.memory_space<hbm>> -> memref<80x128xi32, #tpu.memory_space<hbm>>
      tpu.wait_dma2 semaphore(%run_scoped3A_25 : memref<!tpu.dma_semaphore, #tpu.memory_space<semaphore_mem>>) src(%dma_wait3A_32 : memref<80x128xi32, #tpu.memory_space<hbm>>) dst(%arg7 : memref<80x128xi32, #tpu.memory_space<vmem>>)
      tpu.yield
    }) : () -> ()
    %dma_start3A = arith.constant 0 : i32
    %dma_start3A_3 = arith.constant 0 : i32
    %dma_start3A_4 = tpu.memref_slice %arg7[%dma_start3A, %dma_start3A_3] : memref<80x128xi32, #tpu.memory_space<vmem>> -> memref<1x128xi32, #tpu.memory_space<vmem>>
    %dma_start3A_5 = tpu.memref_squeeze %dma_start3A_4 : memref<1x128xi32, #tpu.memory_space<vmem>> -> memref<128xi32, #tpu.memory_space<vmem>>
    %dma_start3A_6 = arith.constant 0 : i32
    %dma_start3A_7 = arith.constant 0 : i32
    %dma_start3A_8 = tpu.memref_slice %arg2[%dma_start3A_6, %dma_start3A_7] : memref<40000x128xf32, #tpu.memory_space<hbm>> -> memref<40000x128xf32, #tpu.memory_space<hbm>>
    tpu.enqueue_indirect_dma source(%dma_start3A_8 : memref<40000x128xf32, #tpu.memory_space<hbm>>) target(%arg9 : memref<128x128xf32, #tpu.memory_space<vmem>>) offsets(%dma_start3A_5 : memref<128xi32, #tpu.memory_space<vmem>>) semaphore(%arg12 : memref<!tpu.dma_semaphore, #tpu.memory_space<semaphore_mem>>)
    %mul3A_9 = arith.constant 80 : i32
    %mul3A_10 = arith.muli %add3A, %mul3A_9 : i32
    %run_scoped3A = arith.constant 0 : i32
    "tpu.region"() ({
      %run_scoped3A_25 = tpu.sem_alloc : memref<!tpu.dma_semaphore, #tpu.memory_space<semaphore_mem>>
      %dma_start3A_26 = arith.constant 0 : i32
      %dma_start3A_27 = arith.constant 0 : i32
      %dma_start3A_28 = tpu.memref_slice %arg8[%run_scoped3A, %dma_start3A_26, %dma_start3A_27] : memref<2x8x128xi32, #tpu.memory_space<vmem>> -> memref<1x8x128xi32, #tpu.memory_space<vmem>>
      %dma_start3A_29 = tpu.memref_squeeze %dma_start3A_28 : memref<1x8x128xi32, #tpu.memory_space<vmem>> -> memref<8x128xi32, #tpu.memory_space<vmem>>
      %dma_start3A_30 = arith.constant 0 : i32
      %dma_start3A_31 = tpu.memref_slice %arg4[%mul3A_10, %dma_start3A_30] : memref<2560x128xi32, #tpu.memory_space<hbm>> -> memref<8x128xi32, #tpu.memory_space<hbm>>
      %dma_start3A_32 = arith.constant 0 : i32
      %dma_start3A_33 = arith.constant 0 : i32
      %dma_start3A_34 = tpu.memref_slice %arg8[%run_scoped3A, %dma_start3A_32, %dma_start3A_33] : memref<2x8x128xi32, #tpu.memory_space<vmem>> -> memref<1x8x128xi32, #tpu.memory_space<vmem>>
      %dma_start3A_35 = tpu.memref_squeeze %dma_start3A_34 : memref<1x8x128xi32, #tpu.memory_space<vmem>> -> memref<8x128xi32, #tpu.memory_space<vmem>>
      %dma_start3A_36 = arith.constant 0 : i32
      %dma_start3A_37 = tpu.memref_slice %arg4[%mul3A_10, %dma_start3A_36] : memref<2560x128xi32, #tpu.memory_space<hbm>> -> memref<8x128xi32, #tpu.memory_space<hbm>>
      tpu.enqueue_dma source(%dma_start3A_37 : memref<8x128xi32, #tpu.memory_space<hbm>>) target(%dma_start3A_35 : memref<8x128xi32, #tpu.memory_space<vmem>>) target_semaphore(%run_scoped3A_25 : memref<!tpu.dma_semaphore, #tpu.memory_space<semaphore_mem>>)
      %dma_wait3A = arith.constant 0 : i32
      %dma_wait3A_38 = arith.constant 0 : i32
      %dma_wait3A_39 = tpu.memref_slice %arg8[%run_scoped3A, %dma_wait3A, %dma_wait3A_38] : memref<2x8x128xi32, #tpu.memory_space<vmem>> -> memref<1x8x128xi32, #tpu.memory_space<vmem>>
      %dma_wait3A_40 = tpu.memref_squeeze %dma_wait3A_39 : memref<1x8x128xi32, #tpu.memory_space<vmem>> -> memref<8x128xi32, #tpu.memory_space<vmem>>
      %dma_wait3A_41 = arith.constant 0 : i32
      %dma_wait3A_42 = tpu.memref_slice %arg4[%mul3A_10, %dma_wait3A_41] : memref<2560x128xi32, #tpu.memory_space<hbm>> -> memref<8x128xi32, #tpu.memory_space<hbm>>
      %dma_wait3A_43 = arith.constant 0 : i32
      %dma_wait3A_44 = arith.constant 0 : i32
      %dma_wait3A_45 = tpu.memref_slice %arg8[%run_scoped3A, %dma_wait3A_43, %dma_wait3A_44] : memref<2x8x128xi32, #tpu.memory_space<vmem>> -> memref<1x8x128xi32, #tpu.memory_space<vmem>>
      %dma_wait3A_46 = tpu.memref_squeeze %dma_wait3A_45 : memref<1x8x128xi32, #tpu.memory_space<vmem>> -> memref<8x128xi32, #tpu.memory_space<vmem>>
      %dma_wait3A_47 = arith.constant 0 : i32
      %dma_wait3A_48 = tpu.memref_slice %arg4[%mul3A_10, %dma_wait3A_47] : memref<2560x128xi32, #tpu.memory_space<hbm>> -> memref<8x128xi32, #tpu.memory_space<hbm>>
      tpu.wait_dma2 semaphore(%run_scoped3A_25 : memref<!tpu.dma_semaphore, #tpu.memory_space<semaphore_mem>>) src(%dma_wait3A_48 : memref<8x128xi32, #tpu.memory_space<hbm>>) dst(%dma_wait3A_46 : memref<8x128xi32, #tpu.memory_space<vmem>>)
      tpu.yield
    }) : () -> ()
    %mul3A_11 = arith.constant 640 : i32
    %mul3A_12 = arith.muli %arg1, %mul3A_11 : i32
    %mul3A_13 = arith.constant 640 : i32
    %mul3A_14 = arith.muli %arg1, %mul3A_13 : i32
    "tpu.region"() ({
      %run_scoped3A_25 = tpu.sem_alloc : memref<!tpu.dma_semaphore, #tpu.memory_space<semaphore_mem>>
      %dma_start3A_26 = arith.constant 0 : i32
      %dma_start3A_27 = tpu.memref_slice %arg11[%mul3A_14, %dma_start3A_26] : memref<10240x128xf32, #tpu.memory_space<vmem_shared>> -> memref<640x128xf32, #tpu.memory_space<vmem_shared>>
      %dma_start3A_28 = arith.constant 0 : i32
      %dma_start3A_29 = tpu.memref_slice %arg5[%mul3A_12, %dma_start3A_28] : memref<10240x128xf32, #tpu.memory_space<hbm>> -> memref<640x128xf32, #tpu.memory_space<hbm>>
      tpu.enqueue_dma source(%dma_start3A_29 : memref<640x128xf32, #tpu.memory_space<hbm>>) target(%dma_start3A_27 : memref<640x128xf32, #tpu.memory_space<vmem_shared>>) target_semaphore(%run_scoped3A_25 : memref<!tpu.dma_semaphore, #tpu.memory_space<semaphore_mem>>)
      %dma_wait3A = arith.constant 0 : i32
      %dma_wait3A_30 = tpu.memref_slice %arg11[%mul3A_14, %dma_wait3A] : memref<10240x128xf32, #tpu.memory_space<vmem_shared>> -> memref<640x128xf32, #tpu.memory_space<vmem_shared>>
      %dma_wait3A_31 = arith.constant 0 : i32
      %dma_wait3A_32 = tpu.memref_slice %arg5[%mul3A_12, %dma_wait3A_31] : memref<10240x128xf32, #tpu.memory_space<hbm>> -> memref<640x128xf32, #tpu.memory_space<hbm>>
      tpu.wait_dma2 semaphore(%run_scoped3A_25 : memref<!tpu.dma_semaphore, #tpu.memory_space<semaphore_mem>>) src(%dma_wait3A_32 : memref<640x128xf32, #tpu.memory_space<hbm>>) dst(%dma_wait3A_30 : memref<640x128xf32, #tpu.memory_space<vmem_shared>>)
      tpu.yield
    }) : () -> ()
    %barrier3A = arith.constant 0 : index
    tpu.barrier barrier_id(%barrier3A)
    %scan3A = arith.constant 0 : i32
    %scan3A_15 = arith.constant 0 : i32
    %scan3A_16 = arith.constant 40 : i32
    %scan3A_17 = arith.addi %scan3A_15, %scan3A_16 : i32
    %scan3A_18 = arith.constant 1 : i32
    scf.for %scan3A_25 = %scan3A_15 to %scan3A_17 step %scan3A_18  : i32 {
      %mul3A_26 = arith.constant 2 : i32
      %mul3A_27 = arith.muli %mul3A_26, %scan3A_25 : i32
      %shift_right_arithmetic3A = arith.constant 2 : i32
      %shift_right_arithmetic3A_28 = arith.shrsi %scan3A_25, %shift_right_arithmetic3A : i32
      %and3A = arith.constant 1 : i32
      %and3A_29 = arith.andi %shift_right_arithmetic3A_28, %and3A : i32
      %and3A_30 = arith.constant 3 : i32
      %and3A_31 = arith.andi %scan3A_25, %and3A_30 : i32
      %eq3A = arith.constant 0 : i32
      %eq3A_32 = arith.cmpi eq, %and3A_31, %eq3A : i32
      %convert_element_type3A = arith.extui %eq3A_32 : i1 to i32
      %cond3A = arith.constant 0 : i32
      %cond3A_33 = arith.cmpi ne, %convert_element_type3A, %cond3A : i32
      scf.if %cond3A_33 {
        %gt3A = arith.constant 0 : i32
        %gt3A_71 = arith.cmpi sgt, %scan3A_25, %gt3A : i32
        %convert_element_type3A_72 = arith.extui %gt3A_71 : i1 to i32
        %cond3A_73 = arith.constant 0 : i32
        %cond3A_74 = arith.cmpi ne, %convert_element_type3A_72, %cond3A_73 : i32
        scf.if %cond3A_74 {
          %dma_wait3A_82 = arith.constant 0 : i32
          %dma_wait3A_83 = arith.constant 0 : i32
          %dma_wait3A_84 = arith.constant 0 : i32
          %dma_wait3A_85 = tpu.memref_slice %arg8[%dma_wait3A_82, %dma_wait3A_83, %dma_wait3A_84] : memref<2x8x128xi32, #tpu.memory_space<vmem>> -> memref<1x8x128xi32, #tpu.memory_space<vmem>>
          %dma_wait3A_86 = tpu.memref_squeeze %dma_wait3A_85 : memref<1x8x128xi32, #tpu.memory_space<vmem>> -> memref<8x128xi32, #tpu.memory_space<vmem>>
          %dma_wait3A_87 = arith.constant 0 : i32
          %dma_wait3A_88 = arith.constant 0 : i32
          %dma_wait3A_89 = tpu.memref_slice %arg4[%dma_wait3A_87, %dma_wait3A_88] : memref<2560x128xi32, #tpu.memory_space<hbm>> -> memref<8x128xi32, #tpu.memory_space<hbm>>
          %dma_wait3A_90 = arith.constant 0 : i32
          %dma_wait3A_91 = arith.constant 0 : i32
          %dma_wait3A_92 = tpu.memref_slice %arg8[%dma_wait3A_82, %dma_wait3A_90, %dma_wait3A_91] : memref<2x8x128xi32, #tpu.memory_space<vmem>> -> memref<1x8x128xi32, #tpu.memory_space<vmem>>
          %dma_wait3A_93 = tpu.memref_squeeze %dma_wait3A_92 : memref<1x8x128xi32, #tpu.memory_space<vmem>> -> memref<8x128xi32, #tpu.memory_space<vmem>>
          %dma_wait3A_94 = arith.constant 0 : i32
          %dma_wait3A_95 = arith.constant 0 : i32
          %dma_wait3A_96 = tpu.memref_slice %arg4[%dma_wait3A_94, %dma_wait3A_95] : memref<2560x128xi32, #tpu.memory_space<hbm>> -> memref<8x128xi32, #tpu.memory_space<hbm>>
          tpu.wait_dma2 semaphore(%arg14 : memref<!tpu.dma_semaphore, #tpu.memory_space<semaphore_mem>>) src(%dma_wait3A_96 : memref<8x128xi32, #tpu.memory_space<hbm>>) dst(%dma_wait3A_93 : memref<8x128xi32, #tpu.memory_space<vmem>>)
        } else {
        }
        %add3A_75 = arith.constant 8 : i32
        %add3A_76 = arith.addi %mul3A_27, %add3A_75 : i32
        %lt3A_77 = arith.constant 80 : i32
        %lt3A_78 = arith.cmpi slt, %add3A_76, %lt3A_77 : i32
        %convert_element_type3A_79 = arith.extui %lt3A_78 : i1 to i32
        %cond3A_80 = arith.constant 0 : i32
        %cond3A_81 = arith.cmpi ne, %convert_element_type3A_79, %cond3A_80 : i32
        scf.if %cond3A_81 {
          %mul3A_82 = arith.constant 80 : i32
          %mul3A_83 = arith.muli %add3A, %mul3A_82 : i32
          %add3A_84 = arith.addi %mul3A_83, %mul3A_27 : i32
          %add3A_85 = arith.constant 8 : i32
          %add3A_86 = arith.addi %add3A_84, %add3A_85 : i32
          %multiple_of3A = tpu.assume_multiple %add3A_86, 8 : i32
          %sub3A = arith.constant 1 : i32
          %sub3A_87 = arith.subi %sub3A, %and3A_29 : i32
          %dma_start3A_88 = arith.constant 0 : i32
          %dma_start3A_89 = arith.constant 0 : i32
          %dma_start3A_90 = tpu.memref_slice %arg8[%sub3A_87, %dma_start3A_88, %dma_start3A_89] : memref<2x8x128xi32, #tpu.memory_space<vmem>> -> memref<1x8x128xi32, #tpu.memory_space<vmem>>
          %dma_start3A_91 = tpu.memref_squeeze %dma_start3A_90 : memref<1x8x128xi32, #tpu.memory_space<vmem>> -> memref<8x128xi32, #tpu.memory_space<vmem>>
          %dma_start3A_92 = arith.constant 0 : i32
          %dma_start3A_93 = tpu.memref_slice %arg4[%multiple_of3A, %dma_start3A_92] : memref<2560x128xi32, #tpu.memory_space<hbm>> -> memref<8x128xi32, #tpu.memory_space<hbm>>
          %dma_start3A_94 = arith.constant 0 : i32
          %dma_start3A_95 = arith.constant 0 : i32
          %dma_start3A_96 = tpu.memref_slice %arg8[%sub3A_87, %dma_start3A_94, %dma_start3A_95] : memref<2x8x128xi32, #tpu.memory_space<vmem>> -> memref<1x8x128xi32, #tpu.memory_space<vmem>>
          %dma_start3A_97 = tpu.memref_squeeze %dma_start3A_96 : memref<1x8x128xi32, #tpu.memory_space<vmem>> -> memref<8x128xi32, #tpu.memory_space<vmem>>
          %dma_start3A_98 = arith.constant 0 : i32
          %dma_start3A_99 = tpu.memref_slice %arg4[%multiple_of3A, %dma_start3A_98] : memref<2560x128xi32, #tpu.memory_space<hbm>> -> memref<8x128xi32, #tpu.memory_space<hbm>>
          tpu.enqueue_dma source(%dma_start3A_99 : memref<8x128xi32, #tpu.memory_space<hbm>>) target(%dma_start3A_97 : memref<8x128xi32, #tpu.memory_space<vmem>>) target_semaphore(%arg14 : memref<!tpu.dma_semaphore, #tpu.memory_space<semaphore_mem>>)
        } else {
        }
      } else {
      }
      %add3A_34 = arith.constant 1 : i32
      %add3A_35 = arith.addi %mul3A_27, %add3A_34 : i32
      %dma_start3A_36 = arith.constant 0 : i32
      %dma_start3A_37 = tpu.memref_slice %arg7[%add3A_35, %dma_start3A_36] : memref<80x128xi32, #tpu.memory_space<vmem>> -> memref<1x128xi32, #tpu.memory_space<vmem>>
      %dma_start3A_38 = tpu.memref_squeeze %dma_start3A_37 : memref<1x128xi32, #tpu.memory_space<vmem>> -> memref<128xi32, #tpu.memory_space<vmem>>
      %dma_start3A_39 = arith.constant 0 : i32
      %dma_start3A_40 = arith.constant 0 : i32
      %dma_start3A_41 = tpu.memref_slice %arg2[%dma_start3A_39, %dma_start3A_40] : memref<40000x128xf32, #tpu.memory_space<hbm>> -> memref<40000x128xf32, #tpu.memory_space<hbm>>
      tpu.enqueue_indirect_dma source(%dma_start3A_41 : memref<40000x128xf32, #tpu.memory_space<hbm>>) target(%arg10 : memref<128x128xf32, #tpu.memory_space<vmem>>) offsets(%dma_start3A_38 : memref<128xi32, #tpu.memory_space<vmem>>) semaphore(%arg13 : memref<!tpu.dma_semaphore, #tpu.memory_space<semaphore_mem>>)
      %dma_wait3A = arith.constant 0 : i32
      %dma_wait3A_42 = arith.constant 0 : i32
      %dma_wait3A_43 = tpu.memref_slice %arg7[%dma_wait3A, %dma_wait3A_42] : memref<80x128xi32, #tpu.memory_space<vmem>> -> memref<1x128xi32, #tpu.memory_space<vmem>>
      %dma_wait3A_44 = tpu.memref_squeeze %dma_wait3A_43 : memref<1x128xi32, #tpu.memory_space<vmem>> -> memref<128xi32, #tpu.memory_space<vmem>>
      %dma_wait3A_45 = arith.constant 0 : i32
      %dma_wait3A_46 = arith.constant 0 : i32
      %dma_wait3A_47 = tpu.memref_slice %arg2[%dma_wait3A_45, %dma_wait3A_46] : memref<40000x128xf32, #tpu.memory_space<hbm>> -> memref<40000x128xf32, #tpu.memory_space<hbm>>
      tpu.wait_indirect_dma semaphore(%arg12 : memref<!tpu.dma_semaphore, #tpu.memory_space<semaphore_mem>>) src(%dma_wait3A_47 : memref<40000x128xf32, #tpu.memory_space<hbm>>) dst(%arg9 : memref<128x128xf32, #tpu.memory_space<vmem>>)
      %and3A_48 = arith.constant 3 : i32
      %and3A_49 = arith.andi %scan3A_25, %and3A_48 : i32
      %mul3A_50 = arith.constant 2 : i32
      %mul3A_51 = arith.muli %mul3A_50, %and3A_49 : i32
      "tpu.region"() ({
        %run_scoped3A_71 = tpu.sem_alloc : memref<!tpu.dma_semaphore, #tpu.memory_space<semaphore_mem>>
        %dma_start3A_72 = arith.constant 0 : i32
        %dma_start3A_73 = tpu.memref_slice %arg8[%and3A_29, %mul3A_51, %dma_start3A_72] : memref<2x8x128xi32, #tpu.memory_space<vmem>> -> memref<1x1x128xi32, #tpu.memory_space<vmem>>
        %dma_start3A_74 = tpu.memref_squeeze %dma_start3A_73 : memref<1x1x128xi32, #tpu.memory_space<vmem>> -> memref<128xi32, #tpu.memory_space<vmem>>
        %dma_start3A_75 = arith.constant 0 : i32
        %dma_start3A_76 = arith.constant 0 : i32
        %dma_start3A_77 = tpu.memref_slice %arg11[%dma_start3A_75, %dma_start3A_76] : memref<10240x128xf32, #tpu.memory_space<vmem_shared>> -> memref<10240x128xf32, #tpu.memory_space<vmem_shared>>
        tpu.enqueue_indirect_dma source(%arg9 : memref<128x128xf32, #tpu.memory_space<vmem>>) target(%dma_start3A_77 : memref<10240x128xf32, #tpu.memory_space<vmem_shared>>) offsets(%dma_start3A_74 : memref<128xi32, #tpu.memory_space<vmem>>) semaphore(%run_scoped3A_71 : memref<!tpu.dma_semaphore, #tpu.memory_space<semaphore_mem>>) {add = true}
        %dma_wait3A_78 = arith.constant 0 : i32
        %dma_wait3A_79 = tpu.memref_slice %arg8[%and3A_29, %mul3A_51, %dma_wait3A_78] : memref<2x8x128xi32, #tpu.memory_space<vmem>> -> memref<1x1x128xi32, #tpu.memory_space<vmem>>
        %dma_wait3A_80 = tpu.memref_squeeze %dma_wait3A_79 : memref<1x1x128xi32, #tpu.memory_space<vmem>> -> memref<128xi32, #tpu.memory_space<vmem>>
        %dma_wait3A_81 = arith.constant 0 : i32
        %dma_wait3A_82 = arith.constant 0 : i32
        %dma_wait3A_83 = tpu.memref_slice %arg11[%dma_wait3A_81, %dma_wait3A_82] : memref<10240x128xf32, #tpu.memory_space<vmem_shared>> -> memref<10240x128xf32, #tpu.memory_space<vmem_shared>>
        tpu.wait_indirect_dma semaphore(%run_scoped3A_71 : memref<!tpu.dma_semaphore, #tpu.memory_space<semaphore_mem>>) src(%arg9 : memref<128x128xf32, #tpu.memory_space<vmem>>) dst(%dma_wait3A_83 : memref<10240x128xf32, #tpu.memory_space<vmem_shared>>)
        tpu.yield
      }) : () -> ()
      %add3A_52 = arith.constant 2 : i32
      %add3A_53 = arith.addi %mul3A_27, %add3A_52 : i32
      %lt3A = arith.constant 80 : i32
      %lt3A_54 = arith.cmpi slt, %add3A_53, %lt3A : i32
      %convert_element_type3A_55 = arith.extui %lt3A_54 : i1 to i32
      %cond3A_56 = arith.constant 0 : i32
      %cond3A_57 = arith.cmpi ne, %convert_element_type3A_55, %cond3A_56 : i32
      scf.if %cond3A_57 {
        %add3A_71 = arith.constant 2 : i32
        %add3A_72 = arith.addi %mul3A_27, %add3A_71 : i32
        %dma_start3A_73 = arith.constant 0 : i32
        %dma_start3A_74 = tpu.memref_slice %arg7[%add3A_72, %dma_start3A_73] : memref<80x128xi32, #tpu.memory_space<vmem>> -> memref<1x128xi32, #tpu.memory_space<vmem>>
        %dma_start3A_75 = tpu.memref_squeeze %dma_start3A_74 : memref<1x128xi32, #tpu.memory_space<vmem>> -> memref<128xi32, #tpu.memory_space<vmem>>
        %dma_start3A_76 = arith.constant 0 : i32
        %dma_start3A_77 = arith.constant 0 : i32
        %dma_start3A_78 = tpu.memref_slice %arg2[%dma_start3A_76, %dma_start3A_77] : memref<40000x128xf32, #tpu.memory_space<hbm>> -> memref<40000x128xf32, #tpu.memory_space<hbm>>
        tpu.enqueue_indirect_dma source(%dma_start3A_78 : memref<40000x128xf32, #tpu.memory_space<hbm>>) target(%arg9 : memref<128x128xf32, #tpu.memory_space<vmem>>) offsets(%dma_start3A_75 : memref<128xi32, #tpu.memory_space<vmem>>) semaphore(%arg12 : memref<!tpu.dma_semaphore, #tpu.memory_space<semaphore_mem>>)
      } else {
      }
      %dma_wait3A_58 = arith.constant 0 : i32
      %dma_wait3A_59 = arith.constant 0 : i32
      %dma_wait3A_60 = tpu.memref_slice %arg7[%dma_wait3A_58, %dma_wait3A_59] : memref<80x128xi32, #tpu.memory_space<vmem>> -> memref<1x128xi32, #tpu.memory_space<vmem>>
      %dma_wait3A_61 = tpu.memref_squeeze %dma_wait3A_60 : memref<1x128xi32, #tpu.memory_space<vmem>> -> memref<128xi32, #tpu.memory_space<vmem>>
      %dma_wait3A_62 = arith.constant 0 : i32
      %dma_wait3A_63 = arith.constant 0 : i32
      %dma_wait3A_64 = tpu.memref_slice %arg2[%dma_wait3A_62, %dma_wait3A_63] : memref<40000x128xf32, #tpu.memory_space<hbm>> -> memref<40000x128xf32, #tpu.memory_space<hbm>>
      tpu.wait_indirect_dma semaphore(%arg13 : memref<!tpu.dma_semaphore, #tpu.memory_space<semaphore_mem>>) src(%dma_wait3A_64 : memref<40000x128xf32, #tpu.memory_space<hbm>>) dst(%arg10 : memref<128x128xf32, #tpu.memory_space<vmem>>)
      %and3A_65 = arith.constant 3 : i32
      %and3A_66 = arith.andi %scan3A_25, %and3A_65 : i32
      %mul3A_67 = arith.constant 2 : i32
      %mul3A_68 = arith.muli %mul3A_67, %and3A_66 : i32
      %add3A_69 = arith.constant 1 : i32
      %add3A_70 = arith.addi %mul3A_68, %add3A_69 : i32
      "tpu.region"() ({
        %run_scoped3A_71 = tpu.sem_alloc : memref<!tpu.dma_semaphore, #tpu.memory_space<semaphore_mem>>
        %dma_start3A_72 = arith.constant 0 : i32
        %dma_start3A_73 = tpu.memref_slice %arg8[%and3A_29, %add3A_70, %dma_start3A_72] : memref<2x8x128xi32, #tpu.memory_space<vmem>> -> memref<1x1x128xi32, #tpu.memory_space<vmem>>
        %dma_start3A_74 = tpu.memref_squeeze %dma_start3A_73 : memref<1x1x128xi32, #tpu.memory_space<vmem>> -> memref<128xi32, #tpu.memory_space<vmem>>
        %dma_start3A_75 = arith.constant 0 : i32
        %dma_start3A_76 = arith.constant 0 : i32
        %dma_start3A_77 = tpu.memref_slice %arg11[%dma_start3A_75, %dma_start3A_76] : memref<10240x128xf32, #tpu.memory_space<vmem_shared>> -> memref<10240x128xf32, #tpu.memory_space<vmem_shared>>
        tpu.enqueue_indirect_dma source(%arg10 : memref<128x128xf32, #tpu.memory_space<vmem>>) target(%dma_start3A_77 : memref<10240x128xf32, #tpu.memory_space<vmem_shared>>) offsets(%dma_start3A_74 : memref<128xi32, #tpu.memory_space<vmem>>) semaphore(%run_scoped3A_71 : memref<!tpu.dma_semaphore, #tpu.memory_space<semaphore_mem>>) {add = true}
        %dma_wait3A_78 = arith.constant 0 : i32
        %dma_wait3A_79 = tpu.memref_slice %arg8[%and3A_29, %add3A_70, %dma_wait3A_78] : memref<2x8x128xi32, #tpu.memory_space<vmem>> -> memref<1x1x128xi32, #tpu.memory_space<vmem>>
        %dma_wait3A_80 = tpu.memref_squeeze %dma_wait3A_79 : memref<1x1x128xi32, #tpu.memory_space<vmem>> -> memref<128xi32, #tpu.memory_space<vmem>>
        %dma_wait3A_81 = arith.constant 0 : i32
        %dma_wait3A_82 = arith.constant 0 : i32
        %dma_wait3A_83 = tpu.memref_slice %arg11[%dma_wait3A_81, %dma_wait3A_82] : memref<10240x128xf32, #tpu.memory_space<vmem_shared>> -> memref<10240x128xf32, #tpu.memory_space<vmem_shared>>
        tpu.wait_indirect_dma semaphore(%run_scoped3A_71 : memref<!tpu.dma_semaphore, #tpu.memory_space<semaphore_mem>>) src(%arg10 : memref<128x128xf32, #tpu.memory_space<vmem>>) dst(%dma_wait3A_83 : memref<10240x128xf32, #tpu.memory_space<vmem_shared>>)
        tpu.yield
      }) : () -> ()
    }
    %scan3A_19 = arith.constant 40 : i32
    %barrier3A_20 = arith.constant 0 : index
    tpu.barrier barrier_id(%barrier3A_20)
    %mul3A_21 = arith.constant 640 : i32
    %mul3A_22 = arith.muli %arg1, %mul3A_21 : i32
    %mul3A_23 = arith.constant 640 : i32
    %mul3A_24 = arith.muli %arg1, %mul3A_23 : i32
    "tpu.region"() ({
      %run_scoped3A_25 = tpu.sem_alloc : memref<!tpu.dma_semaphore, #tpu.memory_space<semaphore_mem>>
      %dma_start3A_26 = arith.constant 0 : i32
      %dma_start3A_27 = tpu.memref_slice %arg6[%arg0, %mul3A_24, %dma_start3A_26] : memref<2x10240x128xf32, #tpu.memory_space<hbm>> -> memref<1x640x128xf32, #tpu.memory_space<hbm>>
      %dma_start3A_28 = tpu.memref_squeeze %dma_start3A_27 : memref<1x640x128xf32, #tpu.memory_space<hbm>> -> memref<640x128xf32, #tpu.memory_space<hbm>>
      %dma_start3A_29 = arith.constant 0 : i32
      %dma_start3A_30 = tpu.memref_slice %arg11[%mul3A_22, %dma_start3A_29] : memref<10240x128xf32, #tpu.memory_space<vmem_shared>> -> memref<640x128xf32, #tpu.memory_space<vmem_shared>>
      tpu.enqueue_dma source(%dma_start3A_30 : memref<640x128xf32, #tpu.memory_space<vmem_shared>>) target(%dma_start3A_28 : memref<640x128xf32, #tpu.memory_space<hbm>>) target_semaphore(%run_scoped3A_25 : memref<!tpu.dma_semaphore, #tpu.memory_space<semaphore_mem>>)
      %dma_wait3A = arith.constant 0 : i32
      %dma_wait3A_31 = tpu.memref_slice %arg6[%arg0, %mul3A_24, %dma_wait3A] : memref<2x10240x128xf32, #tpu.memory_space<hbm>> -> memref<1x640x128xf32, #tpu.memory_space<hbm>>
      %dma_wait3A_32 = tpu.memref_squeeze %dma_wait3A_31 : memref<1x640x128xf32, #tpu.memory_space<hbm>> -> memref<640x128xf32, #tpu.memory_space<hbm>>
      %dma_wait3A_33 = arith.constant 0 : i32
      %dma_wait3A_34 = tpu.memref_slice %arg11[%mul3A_22, %dma_wait3A_33] : memref<10240x128xf32, #tpu.memory_space<vmem_shared>> -> memref<640x128xf32, #tpu.memory_space<vmem_shared>>
      tpu.wait_dma2 semaphore(%run_scoped3A_25 : memref<!tpu.dma_semaphore, #tpu.memory_space<semaphore_mem>>) src(%dma_wait3A_34 : memref<640x128xf32, #tpu.memory_space<vmem_shared>>) dst(%dma_wait3A_32 : memref<640x128xf32, #tpu.memory_space<hbm>>)
      tpu.yield
    }) : () -> ()
    return
  }
}

module attributes {stable_mosaic.version = 14 : i64} {
  func.func @body(%arg0: i32, %arg1: memref<2000x128xf32, #tpu.memory_space<vmem>>, %arg2: memref<4x128x128xf32, #tpu.memory_space<vmem>>, %arg3: memref<4x2000x128xf32, #tpu.memory_space<vmem>>) attributes {dimension_semantics = [#tpu.dimension_semantics<arbitrary>], iteration_bounds = array<i64: 5>, scalar_prefetch = 0 : i64, scratch_operands = 0 : i64, tpu.core_type = #tpu.core_type<tc>, window_params = [{transform_indices = @transform_0, window_bounds = array<i64: 2000, 128>}, {pipeline_mode = #tpu.pipeline_mode<synchronous>, transform_indices = @transform_1, window_bounds = array<i64: 4, 128, 128>}, {transform_indices = @transform_2, window_bounds = array<i64: 4, 2000, 128>}]} {
    %get3A = arith.constant 0 : index
    %get3A_0 = arith.constant 0 : index
    %get3A_1 = vector.load %arg1[%get3A, %get3A_0] : memref<2000x128xf32, #tpu.memory_space<vmem>>, vector<2000x128xf32>
    %get3A_2 = arith.constant 0 : index
    %get3A_3 = arith.constant 0 : index
    %get3A_4 = arith.constant 0 : index
    %get3A_5 = vector.load %arg2[%get3A_2, %get3A_3, %get3A_4] : memref<4x128x128xf32, #tpu.memory_space<vmem>>, vector<1x128x128xf32>
    %get3A_6 = vector.shape_cast %get3A_5 : vector<1x128x128xf32> to vector<128x128xf32>
    %dot_general3A = arith.constant dense<0.000000e+00> : vector<2000x128xf32>
    %dot_general3A_7 = tpu.matmul %get3A_1, %get3A_6, %dot_general3A {dimension_numbers = #tpu.dot_dimension_numbers<[1], [0], [0], [1], [0, 0, 1, 1], [], []>, transpose_lhs_hint = false} : vector<2000x128xf32>, vector<128x128xf32>, vector<2000x128xf32> -> vector<2000x128xf32>
    %swap3A = arith.constant 0 : index
    %swap3A_8 = arith.constant 0 : index
    %swap3A_9 = arith.constant 0 : index
    %swap3A_10 = vector.load %arg3[%swap3A, %swap3A_8, %swap3A_9] : memref<4x2000x128xf32, #tpu.memory_space<vmem>>, vector<1x2000x128xf32>
    %swap3A_11 = vector.shape_cast %swap3A_10 : vector<1x2000x128xf32> to vector<2000x128xf32>
    %swap3A_12 = vector.shape_cast %dot_general3A_7 : vector<2000x128xf32> to vector<1x2000x128xf32>
    tpu.vector_store %arg3[%swap3A, %swap3A_8, %swap3A_9], %swap3A_12 {strides = array<i32>} : memref<4x2000x128xf32, #tpu.memory_space<vmem>>, vector<1x2000x128xf32>,
    %get3A_13 = arith.constant 1 : index
    %get3A_14 = arith.constant 0 : index
    %get3A_15 = arith.constant 0 : index
    %get3A_16 = vector.load %arg2[%get3A_13, %get3A_14, %get3A_15] : memref<4x128x128xf32, #tpu.memory_space<vmem>>, vector<1x128x128xf32>
    %get3A_17 = vector.shape_cast %get3A_16 : vector<1x128x128xf32> to vector<128x128xf32>
    %dot_general3A_18 = arith.constant dense<0.000000e+00> : vector<2000x128xf32>
    %dot_general3A_19 = tpu.matmul %get3A_1, %get3A_17, %dot_general3A_18 {dimension_numbers = #tpu.dot_dimension_numbers<[1], [0], [0], [1], [0, 0, 1, 1], [], []>, transpose_lhs_hint = false} : vector<2000x128xf32>, vector<128x128xf32>, vector<2000x128xf32> -> vector<2000x128xf32>
    %swap3A_20 = arith.constant 1 : index
    %swap3A_21 = arith.constant 0 : index
    %swap3A_22 = arith.constant 0 : index
    %swap3A_23 = vector.load %arg3[%swap3A_20, %swap3A_21, %swap3A_22] : memref<4x2000x128xf32, #tpu.memory_space<vmem>>, vector<1x2000x128xf32>
    %swap3A_24 = vector.shape_cast %swap3A_23 : vector<1x2000x128xf32> to vector<2000x128xf32>
    %swap3A_25 = vector.shape_cast %dot_general3A_19 : vector<2000x128xf32> to vector<1x2000x128xf32>
    tpu.vector_store %arg3[%swap3A_20, %swap3A_21, %swap3A_22], %swap3A_25 {strides = array<i32>} : memref<4x2000x128xf32, #tpu.memory_space<vmem>>, vector<1x2000x128xf32>,
    %get3A_26 = arith.constant 2 : index
    %get3A_27 = arith.constant 0 : index
    %get3A_28 = arith.constant 0 : index
    %get3A_29 = vector.load %arg2[%get3A_26, %get3A_27, %get3A_28] : memref<4x128x128xf32, #tpu.memory_space<vmem>>, vector<1x128x128xf32>
    %get3A_30 = vector.shape_cast %get3A_29 : vector<1x128x128xf32> to vector<128x128xf32>
    %dot_general3A_31 = arith.constant dense<0.000000e+00> : vector<2000x128xf32>
    %dot_general3A_32 = tpu.matmul %get3A_1, %get3A_30, %dot_general3A_31 {dimension_numbers = #tpu.dot_dimension_numbers<[1], [0], [0], [1], [0, 0, 1, 1], [], []>, transpose_lhs_hint = false} : vector<2000x128xf32>, vector<128x128xf32>, vector<2000x128xf32> -> vector<2000x128xf32>
    %swap3A_33 = arith.constant 2 : index
    %swap3A_34 = arith.constant 0 : index
    %swap3A_35 = arith.constant 0 : index
    %swap3A_36 = vector.load %arg3[%swap3A_33, %swap3A_34, %swap3A_35] : memref<4x2000x128xf32, #tpu.memory_space<vmem>>, vector<1x2000x128xf32>
    %swap3A_37 = vector.shape_cast %swap3A_36 : vector<1x2000x128xf32> to vector<2000x128xf32>
    %swap3A_38 = vector.shape_cast %dot_general3A_32 : vector<2000x128xf32> to vector<1x2000x128xf32>
    tpu.vector_store %arg3[%swap3A_33, %swap3A_34, %swap3A_35], %swap3A_38 {strides = array<i32>} : memref<4x2000x128xf32, #tpu.memory_space<vmem>>, vector<1x2000x128xf32>,
    %get3A_39 = arith.constant 3 : index
    %get3A_40 = arith.constant 0 : index
    %get3A_41 = arith.constant 0 : index
    %get3A_42 = vector.load %arg2[%get3A_39, %get3A_40, %get3A_41] : memref<4x128x128xf32, #tpu.memory_space<vmem>>, vector<1x128x128xf32>
    %get3A_43 = vector.shape_cast %get3A_42 : vector<1x128x128xf32> to vector<128x128xf32>
    %dot_general3A_44 = arith.constant dense<0.000000e+00> : vector<2000x128xf32>
    %dot_general3A_45 = tpu.matmul %get3A_1, %get3A_43, %dot_general3A_44 {dimension_numbers = #tpu.dot_dimension_numbers<[1], [0], [0], [1], [0, 0, 1, 1], [], []>, transpose_lhs_hint = false} : vector<2000x128xf32>, vector<128x128xf32>, vector<2000x128xf32> -> vector<2000x128xf32>
    %swap3A_46 = arith.constant 3 : index
    %swap3A_47 = arith.constant 0 : index
    %swap3A_48 = arith.constant 0 : index
    %swap3A_49 = vector.load %arg3[%swap3A_46, %swap3A_47, %swap3A_48] : memref<4x2000x128xf32, #tpu.memory_space<vmem>>, vector<1x2000x128xf32>
    %swap3A_50 = vector.shape_cast %swap3A_49 : vector<1x2000x128xf32> to vector<2000x128xf32>
    %swap3A_51 = vector.shape_cast %dot_general3A_45 : vector<2000x128xf32> to vector<1x2000x128xf32>
    tpu.vector_store %arg3[%swap3A_46, %swap3A_47, %swap3A_48], %swap3A_51 {strides = array<i32>} : memref<4x2000x128xf32, #tpu.memory_space<vmem>>, vector<1x2000x128xf32>,
    return
  }
  func.func @transform_0(%arg0: i32) -> (i32, i32) {
    %c0_i32 = arith.constant 0 : i32
    %c0_i32_0 = arith.constant 0 : i32
    return %arg0, %c0_i32 : i32, i32
  }
  func.func @transform_1(%arg0: i32) -> (i32, i32, i32) {
    %c0_i32 = arith.constant 0 : i32
    %c0_i32_0 = arith.constant 0 : i32
    %c0_i32_1 = arith.constant 0 : i32
    %c0_i32_2 = arith.constant 0 : i32
    return %c0_i32, %c0_i32_0, %c0_i32_1 : i32, i32, i32
  }
  func.func @transform_2(%arg0: i32) -> (i32, i32, i32) {
    %c0_i32 = arith.constant 0 : i32
    %c0_i32_0 = arith.constant 0 : i32
    %c0_i32_1 = arith.constant 0 : i32
    return %c0_i32, %arg0, %c0_i32_0 : i32, i32, i32
  }
}

module attributes {stable_mosaic.version = 14 : i64} {
  func.func @body(%arg0: i32, %arg1: memref<2000x128xf32, #tpu.memory_space<vmem>>, %arg2: memref<128x128xf32, #tpu.memory_space<vmem>>, %arg3: memref<1x128xf32, #tpu.memory_space<vmem>>, %arg4: memref<2000x128xf32, #tpu.memory_space<vmem>>) attributes {dimension_semantics = [#tpu.dimension_semantics<arbitrary>], iteration_bounds = array<i64: 5>, scalar_prefetch = 0 : i64, scratch_operands = 0 : i64, tpu.core_type = #tpu.core_type<tc>, window_params = [{transform_indices = @transform_0, window_bounds = array<i64: 2000, 128>}, {pipeline_mode = #tpu.pipeline_mode<synchronous>, transform_indices = @transform_1, window_bounds = array<i64: 128, 128>}, {pipeline_mode = #tpu.pipeline_mode<synchronous>, transform_indices = @transform_2, window_bounds = array<i64: 1, 128>}, {transform_indices = @transform_3, window_bounds = array<i64: 2000, 128>}]} {
    %get3A = arith.constant 0 : index
    %get3A_0 = arith.constant 0 : index
    %get3A_1 = vector.load %arg1[%get3A, %get3A_0] : memref<2000x128xf32, #tpu.memory_space<vmem>>, vector<2000x128xf32>
    %get3A_2 = arith.constant 0 : index
    %get3A_3 = arith.constant 0 : index
    %get3A_4 = vector.load %arg2[%get3A_2, %get3A_3] : memref<128x128xf32, #tpu.memory_space<vmem>>, vector<128x128xf32>
    %dot_general3A = arith.constant dense<0.000000e+00> : vector<2000x128xf32>
    %dot_general3A_5 = tpu.matmul %get3A_1, %get3A_4, %dot_general3A {dimension_numbers = #tpu.dot_dimension_numbers<[1], [0], [0], [1], [0, 0, 1, 1], [], []>, transpose_lhs_hint = false} : vector<2000x128xf32>, vector<128x128xf32>, vector<2000x128xf32> -> vector<2000x128xf32>
    %get3A_6 = arith.constant 0 : index
    %get3A_7 = arith.constant 0 : index
    %get3A_8 = vector.load %arg3[%get3A_6, %get3A_7] : memref<1x128xf32, #tpu.memory_space<vmem>>, vector<1x128xf32>
    %add3A = vector.broadcast %get3A_8 : vector<1x128xf32> to vector<2000x128xf32>
    %add3A_9 = arith.addf %dot_general3A_5, %add3A : vector<2000x128xf32>
    %swap3A = arith.constant 0 : index
    %swap3A_10 = arith.constant 0 : index
    %swap3A_11 = vector.load %arg4[%swap3A, %swap3A_10] : memref<2000x128xf32, #tpu.memory_space<vmem>>, vector<2000x128xf32>
    tpu.vector_store %arg4[%swap3A, %swap3A_10], %add3A_9 {strides = array<i32>} : memref<2000x128xf32, #tpu.memory_space<vmem>>, vector<2000x128xf32>,
    return
  }
  func.func @transform_0(%arg0: i32) -> (i32, i32) {
    %c0_i32 = arith.constant 0 : i32
    %c0_i32_0 = arith.constant 0 : i32
    return %arg0, %c0_i32 : i32, i32
  }
  func.func @transform_1(%arg0: i32) -> (i32, i32) {
    %c0_i32 = arith.constant 0 : i32
    %c0_i32_0 = arith.constant 0 : i32
    %c0_i32_1 = arith.constant 0 : i32
    return %c0_i32, %c0_i32_0 : i32, i32
  }
  func.func @transform_2(%arg0: i32) -> (i32, i32) {
    %c0_i32 = arith.constant 0 : i32
    %c0_i32_0 = arith.constant 0 : i32
    %c0_i32_1 = arith.constant 0 : i32
    return %c0_i32, %c0_i32_0 : i32, i32
  }
  func.func @transform_3(%arg0: i32) -> (i32, i32) {
    %c0_i32 = arith.constant 0 : i32
    %c0_i32_0 = arith.constant 0 : i32
    return %arg0, %c0_i32 : i32, i32
  }
}

module attributes {stable_mosaic.version = 14 : i64} {
  func.func @body(%arg0: i32, %arg1: memref<2x2000x128xf32, #tpu.memory_space<vmem>>, %arg2: memref<2000x128xf32, #tpu.memory_space<vmem>>, %arg3: memref<4x128x128xf32, #tpu.memory_space<vmem>>, %arg4: memref<4x2000x128xf32, #tpu.memory_space<vmem>>) attributes {dimension_semantics = [#tpu.dimension_semantics<arbitrary>], iteration_bounds = array<i64: 5>, scalar_prefetch = 0 : i64, scratch_operands = 0 : i64, tpu.core_type = #tpu.core_type<tc>, window_params = [{transform_indices = @transform_0, window_bounds = array<i64: 2, 2000, 128>}, {transform_indices = @transform_1, window_bounds = array<i64: 2000, 128>}, {pipeline_mode = #tpu.pipeline_mode<synchronous>, transform_indices = @transform_2, window_bounds = array<i64: 4, 128, 128>}, {transform_indices = @transform_3, window_bounds = array<i64: 4, 2000, 128>}]} {
    %get3A = arith.constant 0 : index
    %get3A_0 = arith.constant 0 : index
    %get3A_1 = arith.constant 0 : index
    %get3A_2 = vector.load %arg1[%get3A, %get3A_0, %get3A_1] : memref<2x2000x128xf32, #tpu.memory_space<vmem>>, vector<1x2000x128xf32>
    %get3A_3 = vector.shape_cast %get3A_2 : vector<1x2000x128xf32> to vector<2000x128xf32>
    %get3A_4 = arith.constant 1 : index
    %get3A_5 = arith.constant 0 : index
    %get3A_6 = arith.constant 0 : index
    %get3A_7 = vector.load %arg1[%get3A_4, %get3A_5, %get3A_6] : memref<2x2000x128xf32, #tpu.memory_space<vmem>>, vector<1x2000x128xf32>
    %get3A_8 = vector.shape_cast %get3A_7 : vector<1x2000x128xf32> to vector<2000x128xf32>
    %add3A = arith.addf %get3A_3, %get3A_8 : vector<2000x128xf32>
    %get3A_9 = arith.constant 0 : index
    %get3A_10 = arith.constant 0 : index
    %get3A_11 = vector.load %arg2[%get3A_9, %get3A_10] : memref<2000x128xf32, #tpu.memory_space<vmem>>, vector<2000x128xf32>
    %add3A_12 = arith.addf %add3A, %get3A_11 : vector<2000x128xf32>
    %max3A = arith.constant 0.000000e+00 : f32
    %max3A_13 = vector.broadcast %max3A : f32 to vector<2000x128xf32>
    %max3A_14 = arith.maximumf %add3A_12, %max3A_13 : vector<2000x128xf32>
    %get3A_15 = arith.constant 0 : index
    %get3A_16 = arith.constant 0 : index
    %get3A_17 = arith.constant 0 : index
    %get3A_18 = vector.load %arg3[%get3A_15, %get3A_16, %get3A_17] : memref<4x128x128xf32, #tpu.memory_space<vmem>>, vector<1x128x128xf32>
    %get3A_19 = vector.shape_cast %get3A_18 : vector<1x128x128xf32> to vector<128x128xf32>
    %dot_general3A = arith.constant dense<0.000000e+00> : vector<2000x128xf32>
    %dot_general3A_20 = tpu.matmul %max3A_14, %get3A_19, %dot_general3A {dimension_numbers = #tpu.dot_dimension_numbers<[1], [0], [0], [1], [0, 0, 1, 1], [], []>, transpose_lhs_hint = false} : vector<2000x128xf32>, vector<128x128xf32>, vector<2000x128xf32> -> vector<2000x128xf32>
    %swap3A = arith.constant 0 : index
    %swap3A_21 = arith.constant 0 : index
    %swap3A_22 = arith.constant 0 : index
    %swap3A_23 = vector.load %arg4[%swap3A, %swap3A_21, %swap3A_22] : memref<4x2000x128xf32, #tpu.memory_space<vmem>>, vector<1x2000x128xf32>
    %swap3A_24 = vector.shape_cast %swap3A_23 : vector<1x2000x128xf32> to vector<2000x128xf32>
    %swap3A_25 = vector.shape_cast %dot_general3A_20 : vector<2000x128xf32> to vector<1x2000x128xf32>
    tpu.vector_store %arg4[%swap3A, %swap3A_21, %swap3A_22], %swap3A_25 {strides = array<i32>} : memref<4x2000x128xf32, #tpu.memory_space<vmem>>, vector<1x2000x128xf32>,
    %get3A_26 = arith.constant 1 : index
    %get3A_27 = arith.constant 0 : index
    %get3A_28 = arith.constant 0 : index
    %get3A_29 = vector.load %arg3[%get3A_26, %get3A_27, %get3A_28] : memref<4x128x128xf32, #tpu.memory_space<vmem>>, vector<1x128x128xf32>
    %get3A_30 = vector.shape_cast %get3A_29 : vector<1x128x128xf32> to vector<128x128xf32>
    %dot_general3A_31 = arith.constant dense<0.000000e+00> : vector<2000x128xf32>
    %dot_general3A_32 = tpu.matmul %max3A_14, %get3A_30, %dot_general3A_31 {dimension_numbers = #tpu.dot_dimension_numbers<[1], [0], [0], [1], [0, 0, 1, 1], [], []>, transpose_lhs_hint = false} : vector<2000x128xf32>, vector<128x128xf32>, vector<2000x128xf32> -> vector<2000x128xf32>
    %swap3A_33 = arith.constant 1 : index
    %swap3A_34 = arith.constant 0 : index
    %swap3A_35 = arith.constant 0 : index
    %swap3A_36 = vector.load %arg4[%swap3A_33, %swap3A_34, %swap3A_35] : memref<4x2000x128xf32, #tpu.memory_space<vmem>>, vector<1x2000x128xf32>
    %swap3A_37 = vector.shape_cast %swap3A_36 : vector<1x2000x128xf32> to vector<2000x128xf32>
    %swap3A_38 = vector.shape_cast %dot_general3A_32 : vector<2000x128xf32> to vector<1x2000x128xf32>
    tpu.vector_store %arg4[%swap3A_33, %swap3A_34, %swap3A_35], %swap3A_38 {strides = array<i32>} : memref<4x2000x128xf32, #tpu.memory_space<vmem>>, vector<1x2000x128xf32>,
    %get3A_39 = arith.constant 2 : index
    %get3A_40 = arith.constant 0 : index
    %get3A_41 = arith.constant 0 : index
    %get3A_42 = vector.load %arg3[%get3A_39, %get3A_40, %get3A_41] : memref<4x128x128xf32, #tpu.memory_space<vmem>>, vector<1x128x128xf32>
    %get3A_43 = vector.shape_cast %get3A_42 : vector<1x128x128xf32> to vector<128x128xf32>
    %dot_general3A_44 = arith.constant dense<0.000000e+00> : vector<2000x128xf32>
    %dot_general3A_45 = tpu.matmul %max3A_14, %get3A_43, %dot_general3A_44 {dimension_numbers = #tpu.dot_dimension_numbers<[1], [0], [0], [1], [0, 0, 1, 1], [], []>, transpose_lhs_hint = false} : vector<2000x128xf32>, vector<128x128xf32>, vector<2000x128xf32> -> vector<2000x128xf32>
    %swap3A_46 = arith.constant 2 : index
    %swap3A_47 = arith.constant 0 : index
    %swap3A_48 = arith.constant 0 : index
    %swap3A_49 = vector.load %arg4[%swap3A_46, %swap3A_47, %swap3A_48] : memref<4x2000x128xf32, #tpu.memory_space<vmem>>, vector<1x2000x128xf32>
    %swap3A_50 = vector.shape_cast %swap3A_49 : vector<1x2000x128xf32> to vector<2000x128xf32>
    %swap3A_51 = vector.shape_cast %dot_general3A_45 : vector<2000x128xf32> to vector<1x2000x128xf32>
    tpu.vector_store %arg4[%swap3A_46, %swap3A_47, %swap3A_48], %swap3A_51 {strides = array<i32>} : memref<4x2000x128xf32, #tpu.memory_space<vmem>>, vector<1x2000x128xf32>,
    %get3A_52 = arith.constant 3 : index
    %get3A_53 = arith.constant 0 : index
    %get3A_54 = arith.constant 0 : index
    %get3A_55 = vector.load %arg3[%get3A_52, %get3A_53, %get3A_54] : memref<4x128x128xf32, #tpu.memory_space<vmem>>, vector<1x128x128xf32>
    %get3A_56 = vector.shape_cast %get3A_55 : vector<1x128x128xf32> to vector<128x128xf32>
    %dot_general3A_57 = arith.constant dense<0.000000e+00> : vector<2000x128xf32>
    %dot_general3A_58 = tpu.matmul %max3A_14, %get3A_56, %dot_general3A_57 {dimension_numbers = #tpu.dot_dimension_numbers<[1], [0], [0], [1], [0, 0, 1, 1], [], []>, transpose_lhs_hint = false} : vector<2000x128xf32>, vector<128x128xf32>, vector<2000x128xf32> -> vector<2000x128xf32>
    %swap3A_59 = arith.constant 3 : index
    %swap3A_60 = arith.constant 0 : index
    %swap3A_61 = arith.constant 0 : index
    %swap3A_62 = vector.load %arg4[%swap3A_59, %swap3A_60, %swap3A_61] : memref<4x2000x128xf32, #tpu.memory_space<vmem>>, vector<1x2000x128xf32>
    %swap3A_63 = vector.shape_cast %swap3A_62 : vector<1x2000x128xf32> to vector<2000x128xf32>
    %swap3A_64 = vector.shape_cast %dot_general3A_58 : vector<2000x128xf32> to vector<1x2000x128xf32>
    tpu.vector_store %arg4[%swap3A_59, %swap3A_60, %swap3A_61], %swap3A_64 {strides = array<i32>} : memref<4x2000x128xf32, #tpu.memory_space<vmem>>, vector<1x2000x128xf32>,
    return
  }
  func.func @transform_0(%arg0: i32) -> (i32, i32, i32) {
    %c0_i32 = arith.constant 0 : i32
    %c0_i32_0 = arith.constant 0 : i32
    %c0_i32_1 = arith.constant 0 : i32
    return %c0_i32, %arg0, %c0_i32_0 : i32, i32, i32
  }
  func.func @transform_1(%arg0: i32) -> (i32, i32) {
    %c0_i32 = arith.constant 0 : i32
    %c0_i32_0 = arith.constant 0 : i32
    return %arg0, %c0_i32 : i32, i32
  }
  func.func @transform_2(%arg0: i32) -> (i32, i32, i32) {
    %c0_i32 = arith.constant 0 : i32
    %c0_i32_0 = arith.constant 0 : i32
    %c0_i32_1 = arith.constant 0 : i32
    %c0_i32_2 = arith.constant 0 : i32
    return %c0_i32, %c0_i32_0, %c0_i32_1 : i32, i32, i32
  }
  func.func @transform_3(%arg0: i32) -> (i32, i32, i32) {
    %c0_i32 = arith.constant 0 : i32
    %c0_i32_0 = arith.constant 0 : i32
    %c0_i32_1 = arith.constant 0 : i32
    return %c0_i32, %arg0, %c0_i32_0 : i32, i32, i32
  }
}

module attributes {stable_mosaic.version = 14 : i64} {
  func.func @body(%arg0: i32, %arg1: memref<2x2000x128xf32, #tpu.memory_space<vmem>>, %arg2: memref<128x128xf32, #tpu.memory_space<vmem>>, %arg3: memref<1x128xf32, #tpu.memory_space<vmem>>, %arg4: memref<2000x128xf32, #tpu.memory_space<vmem>>) attributes {dimension_semantics = [#tpu.dimension_semantics<arbitrary>], iteration_bounds = array<i64: 5>, scalar_prefetch = 0 : i64, scratch_operands = 0 : i64, tpu.core_type = #tpu.core_type<tc>, window_params = [{transform_indices = @transform_0, window_bounds = array<i64: 2, 2000, 128>}, {pipeline_mode = #tpu.pipeline_mode<synchronous>, transform_indices = @transform_1, window_bounds = array<i64: 128, 128>}, {pipeline_mode = #tpu.pipeline_mode<synchronous>, transform_indices = @transform_2, window_bounds = array<i64: 1, 128>}, {transform_indices = @transform_3, window_bounds = array<i64: 2000, 128>}]} {
    %get3A = arith.constant 0 : index
    %get3A_0 = arith.constant 0 : index
    %get3A_1 = arith.constant 0 : index
    %get3A_2 = vector.load %arg1[%get3A, %get3A_0, %get3A_1] : memref<2x2000x128xf32, #tpu.memory_space<vmem>>, vector<1x2000x128xf32>
    %get3A_3 = vector.shape_cast %get3A_2 : vector<1x2000x128xf32> to vector<2000x128xf32>
    %get3A_4 = arith.constant 1 : index
    %get3A_5 = arith.constant 0 : index
    %get3A_6 = arith.constant 0 : index
    %get3A_7 = vector.load %arg1[%get3A_4, %get3A_5, %get3A_6] : memref<2x2000x128xf32, #tpu.memory_space<vmem>>, vector<1x2000x128xf32>
    %get3A_8 = vector.shape_cast %get3A_7 : vector<1x2000x128xf32> to vector<2000x128xf32>
    %add3A = arith.addf %get3A_3, %get3A_8 : vector<2000x128xf32>
    %get3A_9 = arith.constant 0 : index
    %get3A_10 = arith.constant 0 : index
    %get3A_11 = vector.load %arg2[%get3A_9, %get3A_10] : memref<128x128xf32, #tpu.memory_space<vmem>>, vector<128x128xf32>
    %dot_general3A = arith.constant dense<0.000000e+00> : vector<2000x128xf32>
    %dot_general3A_12 = tpu.matmul %add3A, %get3A_11, %dot_general3A {dimension_numbers = #tpu.dot_dimension_numbers<[1], [0], [0], [1], [0, 0, 1, 1], [], []>, transpose_lhs_hint = false} : vector<2000x128xf32>, vector<128x128xf32>, vector<2000x128xf32> -> vector<2000x128xf32>
    %add3A_13 = arith.addf %add3A, %dot_general3A_12 : vector<2000x128xf32>
    %get3A_14 = arith.constant 0 : index
    %get3A_15 = arith.constant 0 : index
    %get3A_16 = vector.load %arg3[%get3A_14, %get3A_15] : memref<1x128xf32, #tpu.memory_space<vmem>>, vector<1x128xf32>
    %add3A_17 = vector.broadcast %get3A_16 : vector<1x128xf32> to vector<2000x128xf32>
    %add3A_18 = arith.addf %add3A_13, %add3A_17 : vector<2000x128xf32>
    %swap3A = arith.constant 0 : index
    %swap3A_19 = arith.constant 0 : index
    %swap3A_20 = vector.load %arg4[%swap3A, %swap3A_19] : memref<2000x128xf32, #tpu.memory_space<vmem>>, vector<2000x128xf32>
    tpu.vector_store %arg4[%swap3A, %swap3A_19], %add3A_18 {strides = array<i32>} : memref<2000x128xf32, #tpu.memory_space<vmem>>, vector<2000x128xf32>,
    return
  }
  func.func @transform_0(%arg0: i32) -> (i32, i32, i32) {
    %c0_i32 = arith.constant 0 : i32
    %c0_i32_0 = arith.constant 0 : i32
    %c0_i32_1 = arith.constant 0 : i32
    return %c0_i32, %arg0, %c0_i32_0 : i32, i32, i32
  }
  func.func @transform_1(%arg0: i32) -> (i32, i32) {
    %c0_i32 = arith.constant 0 : i32
    %c0_i32_0 = arith.constant 0 : i32
    %c0_i32_1 = arith.constant 0 : i32
    return %c0_i32, %c0_i32_0 : i32, i32
  }
  func.func @transform_2(%arg0: i32) -> (i32, i32) {
    %c0_i32 = arith.constant 0 : i32
    %c0_i32_0 = arith.constant 0 : i32
    %c0_i32_1 = arith.constant 0 : i32
    return %c0_i32, %c0_i32_0 : i32, i32
  }
  func.func @transform_3(%arg0: i32) -> (i32, i32) {
    %c0_i32 = arith.constant 0 : i32
    %c0_i32_0 = arith.constant 0 : i32
    return %arg0, %c0_i32 : i32, i32
  }
}

module attributes {stable_mosaic.version = 14 : i64} {
  func.func @body(%arg0: memref<2048x128xf32, #tpu.memory_space<vmem>>, %arg1: memref<128x128xf32, #tpu.memory_space<vmem>>, %arg2: memref<1x128xf32, #tpu.memory_space<vmem>>, %arg3: memref<128x128xf32, #tpu.memory_space<vmem>>, %arg4: memref<128x128xf32, #tpu.memory_space<vmem>>, %arg5: memref<1x128xf32, #tpu.memory_space<vmem>>, %arg6: memref<128x128xf32, #tpu.memory_space<vmem>>, %arg7: memref<1x128xf32, #tpu.memory_space<vmem>>, %arg8: memref<1024x128xf32, #tpu.memory_space<vmem>>) attributes {dimension_semantics = [], scalar_prefetch = 0 : i64, scratch_operands = 0 : i64, tpu.core_type = #tpu.core_type<tc>} {
    %get3A = arith.constant 0 : index
    %get3A_0 = arith.constant 0 : index
    %get3A_1 = vector.load %arg0[%get3A, %get3A_0] : memref<2048x128xf32, #tpu.memory_space<vmem>>, vector<1024x128xf32>
    %get3A_2 = arith.constant 1024 : index
    %get3A_3 = arith.constant 0 : index
    %get3A_4 = vector.load %arg0[%get3A_2, %get3A_3] : memref<2048x128xf32, #tpu.memory_space<vmem>>, vector<1024x128xf32>
    %add3A = arith.addf %get3A_1, %get3A_4 : vector<1024x128xf32>
    %get3A_5 = arith.constant 0 : index
    %get3A_6 = arith.constant 0 : index
    %get3A_7 = vector.load %arg1[%get3A_5, %get3A_6] : memref<128x128xf32, #tpu.memory_space<vmem>>, vector<128x128xf32>
    %dot_general3A = arith.constant dense<0.000000e+00> : vector<1024x128xf32>
    %dot_general3A_8 = tpu.matmul %add3A, %get3A_7, %dot_general3A {dimension_numbers = #tpu.dot_dimension_numbers<[1], [0], [0], [1], [0, 0, 1, 1], [], []>, transpose_lhs_hint = false} : vector<1024x128xf32>, vector<128x128xf32>, vector<1024x128xf32> -> vector<1024x128xf32>
    %add3A_9 = arith.addf %add3A, %dot_general3A_8 : vector<1024x128xf32>
    %get3A_10 = arith.constant 0 : index
    %get3A_11 = arith.constant 0 : index
    %get3A_12 = vector.load %arg2[%get3A_10, %get3A_11] : memref<1x128xf32, #tpu.memory_space<vmem>>, vector<1x128xf32>
    %add3A_13 = vector.broadcast %get3A_12 : vector<1x128xf32> to vector<1024x128xf32>
    %add3A_14 = arith.addf %add3A_9, %add3A_13 : vector<1024x128xf32>
    %slice3A = vector.extract_strided_slice %add3A_14 {offsets = [1000, 0], sizes = [1, 128], strides = [1, 1]} : vector<1024x128xf32> to vector<1x128xf32>
    %get3A_15 = arith.constant 0 : index
    %get3A_16 = arith.constant 0 : index
    %get3A_17 = vector.load %arg3[%get3A_15, %get3A_16] : memref<128x128xf32, #tpu.memory_space<vmem>>, vector<128x128xf32>
    %dot_general3A_18 = arith.constant dense<0.000000e+00> : vector<1x128xf32>
    %dot_general3A_19 = tpu.matmul %slice3A, %get3A_17, %dot_general3A_18 {dimension_numbers = #tpu.dot_dimension_numbers<[1], [0], [0], [1], [0, 0, 1, 1], [], []>, transpose_lhs_hint = false} : vector<1x128xf32>, vector<128x128xf32>, vector<1x128xf32> -> vector<1x128xf32>
    %get3A_20 = arith.constant 0 : index
    %get3A_21 = arith.constant 0 : index
    %get3A_22 = vector.load %arg4[%get3A_20, %get3A_21] : memref<128x128xf32, #tpu.memory_space<vmem>>, vector<128x128xf32>
    %dot_general3A_23 = arith.constant dense<0.000000e+00> : vector<1024x128xf32>
    %dot_general3A_24 = tpu.matmul %add3A_14, %get3A_22, %dot_general3A_23 {dimension_numbers = #tpu.dot_dimension_numbers<[1], [0], [0], [1], [0, 0, 1, 1], [], []>, transpose_lhs_hint = false} : vector<1024x128xf32>, vector<128x128xf32>, vector<1024x128xf32> -> vector<1024x128xf32>
    %add3A_25 = vector.broadcast %dot_general3A_19 : vector<1x128xf32> to vector<1024x128xf32>
    %add3A_26 = arith.addf %dot_general3A_24, %add3A_25 : vector<1024x128xf32>
    %get3A_27 = arith.constant 0 : index
    %get3A_28 = arith.constant 0 : index
    %get3A_29 = vector.load %arg5[%get3A_27, %get3A_28] : memref<1x128xf32, #tpu.memory_space<vmem>>, vector<1x128xf32>
    %add3A_30 = vector.broadcast %get3A_29 : vector<1x128xf32> to vector<1024x128xf32>
    %add3A_31 = arith.addf %add3A_26, %add3A_30 : vector<1024x128xf32>
    %max3A = arith.constant 0.000000e+00 : f32
    %max3A_32 = vector.broadcast %max3A : f32 to vector<1024x128xf32>
    %max3A_33 = arith.maximumf %add3A_31, %max3A_32 : vector<1024x128xf32>
    %get3A_34 = arith.constant 0 : index
    %get3A_35 = arith.constant 0 : index
    %get3A_36 = vector.load %arg6[%get3A_34, %get3A_35] : memref<128x128xf32, #tpu.memory_space<vmem>>, vector<128x128xf32>
    %dot_general3A_37 = arith.constant dense<0.000000e+00> : vector<1024x128xf32>
    %dot_general3A_38 = tpu.matmul %max3A_33, %get3A_36, %dot_general3A_37 {dimension_numbers = #tpu.dot_dimension_numbers<[1], [0], [0], [1], [0, 0, 1, 1], [], []>, transpose_lhs_hint = false} : vector<1024x128xf32>, vector<128x128xf32>, vector<1024x128xf32> -> vector<1024x128xf32>
    %get3A_39 = arith.constant 0 : index
    %get3A_40 = arith.constant 0 : index
    %get3A_41 = vector.load %arg7[%get3A_39, %get3A_40] : memref<1x128xf32, #tpu.memory_space<vmem>>, vector<1x128xf32>
    %add3A_42 = vector.broadcast %get3A_41 : vector<1x128xf32> to vector<1024x128xf32>
    %add3A_43 = arith.addf %dot_general3A_38, %add3A_42 : vector<1024x128xf32>
    %swap3A = arith.constant 0 : index
    %swap3A_44 = arith.constant 0 : index
    %swap3A_45 = vector.load %arg8[%swap3A, %swap3A_44] : memref<1024x128xf32, #tpu.memory_space<vmem>>, vector<1024x128xf32>
    tpu.vector_store %arg8[%swap3A, %swap3A_44], %add3A_43 {strides = array<i32>} : memref<1024x128xf32, #tpu.memory_space<vmem>>, vector<1024x128xf32>,
    return
  }
}

</mosaic_0001>

<sc_bundles>
// kernel: kernel.10.cloned.1.call-start
scs
__scs_entry_jumppad:
0x0: {  	(pc) =	sbr.rel $0x88, $3  }
0x1: {  	(tag) =	ssettag $0x0;
	lr =	simm.s32 $0x1  }
0x2: {  	[smem:$0x3F92] =	sst lr;
	_ =	strace $0xD0000000  }
0x3: {  	_ = 	snop  }
0x4: {  	_ = 	snop  }
0x5: {  	_ = 	snop  }
0x6: {  	_ = 	snop  }
0x7: {  	_ = 	snop  }
__scs_overlays_trampoline_lowered:
0x8: {  	[smem:$0x3FA1] =	sst s0  }
0x9: {  	[smem:$0x3FA2] =	sst s1  }
0xa: {  	[smem:$0x3FA3] =	sst s2  }
0xb: {  	[smem:$0x3FA4] =	sst s3  }
0xc: {  	[smem:$0x3FA5] =	sst s4  }
0xd: {  	[smem:$0x3FA6] =	sst s5  }
0xe: {  	[smem:$0x3FA7] =	sst s6  }
0xf: {  	[smem:$0x3FA8] =	sst s7  }
0x10: {  	[smem:$0x3FA9] =	sst s8  }
0x11: {  	[smem:$0x3FAA] =	sst s9;
	s0 =	simm.s32 @!p0 $0x0  }
0x12: {  	s1 =	sld [smem:$0x3F90];
	s0 =	simm.s32 @p0 $0x1  }
0x13: {  	[smem:$0x3FAB] =	sst s0;
	s0 =	simm.s32 @!p1 $0x0  }
0x14: {  	s2 =	sld [smem:$0x3F8F];
	s0 =	simm.s32 @p1 $0x1  }
0x15: {  	[smem:$0x3FAC] =	sst s0;
	s0 =	simm.s32 @!p2 $0x0  }
0x16: {  	s3 =	sld [smem:$0x3FDB];
	s0 =	simm.s32 @p2 $0x1  }
0x17: {  	s4 =	simm.s32 $0x1BF5;
	[smem:$0x3FAE] =	sst s0  }
0x18: {  	s0 =	sld [smem:$0x3F91];
	_ =	swait.ge [sflag:s4], $0x0  }
0x19: {  	s7 =	sld [smem:$0x3F92]  }
0x1a: {  	s8 =	sadd.s32 $0xFFFFE003, lr  }
0x1b: {  	s9 =	sadd.s32 $0xFFFFFEF7, lr;
	s5 =	simm.s32 $0xFFFFFFFF;
	p2 =	slt.u32 s8, $0xFFFFF086  }
0x1c: {  	p1 =	slt.u32 s9, $0xF7A;
	s5 =	simm.s32 @!p2 $0x0  }
0x1d: {  	s5 =	simm.s32 @p1 $0x1;
	p0 =	seq.s32 s7, s2  }
0x1e: {  	s7 =	smul.u32 @!p0 $0xF7A, s2;
	p2 =	seq.s32 @!p0 s5, $0x0  }
0x1f: {  	s9 =	smul.u32 $0xF7A, s1;
	s8 =	simm.s32 @!p0 $0x1BF5;
	p2 =	por !p2, p0  }
0x20: {  	[sflag:s8] =	ssyncset.s32 @!p0 $0xFFFFF086;
	s6 =	sadd.s32 @!p0 s3, s7;
	s7 =	simm.s32 @!p0 $0x108  }
0x21: {  	s3 =	sadd.s32 s3, s9;
	s6 =	sadd.s32 @!p0 $0x88, s6;
	s7 =	simm.s32 @p2 $0x1082  }
0x22: {  	[simem:s7], [sflag:s8] =	dma.local @!p0 [hbm:s6], $0xF7A  }
0x23: {  	s9 =	sor.u32 $0xD0000000, s2;
	s6 =	simm.s32 $0x108;
	_ =	swait.ge @!p0 [sflag:s8], $0x0  }
0x24: {  	s3 =	sadd.s32 $0x88, s3;
	s6 =	simm.s32 @!p1 $0x1082;
	[sflag:s4] =	ssyncset.s32 $0xFFFFF086  }
0x25: {  	[simem:s6], [sflag:s4] =	dma.local [hbm:s3], $0xF7A  }
0x26: {  	[smem:$0x3F92] =	sst s1;
	(tag) =	ssettag s2;
	_ =	strace s9  }
0x27: {  	s1 =	sld [smem:$0x3FA2]  }
0x28: {  	s2 =	sld [smem:$0x3FA3]  }
0x29: {  	s4 =	sld [smem:$0x3FA5]  }
0x2a: {  	p0 =	seq.s32 s5, $0x0;
	s5 =	sld [smem:$0x3FA6]  }
0x2b: {  	s6 =	sld [smem:$0x3FA7]  }
0x2c: {  	s7 =	sld [smem:$0x3FA8]  }
0x2d: {  	s3 =	simm.s32 $0x108;
	s8 =	sld [smem:$0x3FA9]  }
0x2e: {  	s3 =	simm.s32 @!p0 $0x1082;
	s9 =	sld [smem:$0x3FAA]  }
0x2f: {  	lr =	sadd.s32 s0, s3;
	s0 =	sld [smem:$0x3FA1]  }
0x30: {  	s3 =	sld [smem:$0x3FA4]  }
0x31: {  	[smem:$0x3FAD] =	sst s10  }
0x32: {  	s10 =	sld [smem:$0x3FAB];
	_ =	sdelay $0x3  }
0x33: {  	p0 =	seq.s32 s10, $0x1;
	s10 =	sld [smem:$0x3FAD];
	_ =	sdelay $0x3  }
0x34: {  	[smem:$0x3FAD] =	sst s10  }
0x35: {  	s10 =	sld [smem:$0x3FAC];
	_ =	sdelay $0x3  }
0x36: {  	p1 =	seq.s32 s10, $0x1;
	s10 =	sld [smem:$0x3FAD];
	_ =	sdelay $0x3  }
0x37: {  	[smem:$0x3FAD] =	sst s10  }
0x38: {  	s10 =	sld [smem:$0x3FAE]  }
0x39: {  	_ = 	snop;
	(pc) =	sbr.ind lr, $3  }
0x3a: {  	_ = 	snop  }
0x3b: {  	_ = 	snop  }
0x3c: {  	p2 =	seq.s32 s10, $0x1;
	s10 =	sld [smem:$0x3FAD]  }
0x3d: {  	_ =	shalt  }
0x3e: {  	_ =	shalt  }
0x3f: {  	_ =	shalt  }
0x40: {  	_ =	shalt  }
0x41: {  	_ =	shalt  }
0x42: {  	_ =	shalt  }
0x43: {  	_ =	shalt  }
0x44: {  	_ =	shalt  }
0x45: {  	_ =	shalt  }
0x46: {  	_ =	shalt  }
0x47: {  	_ =	shalt  }
0x48: {  	_ =	shalt  }
0x49: {  	_ =	shalt  }
0x4a: {  	_ =	shalt  }
0x4b: {  	_ =	shalt  }
0x4c: {  	_ =	shalt  }
0x4d: {  	_ =	shalt  }
0x4e: {  	_ =	shalt  }
0x4f: {  	_ =	shalt  }
0x50: {  	_ =	shalt  }
0x51: {  	_ =	shalt  }
0x52: {  	_ =	shalt  }
0x53: {  	_ =	shalt  }
0x54: {  	_ =	shalt  }
0x55: {  	_ =	shalt  }
0x56: {  	_ =	shalt  }
0x57: {  	_ =	shalt  }
0x58: {  	_ =	shalt  }
0x59: {  	_ =	shalt  }
0x5a: {  	_ =	shalt  }
0x5b: {  	_ =	shalt  }
0x5c: {  	_ =	shalt  }
0x5d: {  	_ =	shalt  }
0x5e: {  	_ =	shalt  }
0x5f: {  	_ =	shalt  }
0x60: {  	_ =	shalt  }
0x61: {  	_ =	shalt  }
0x62: {  	_ =	shalt  }
0x63: {  	_ =	shalt  }
0x64: {  	_ =	shalt  }
0x65: {  	_ =	shalt  }
0x66: {  	_ =	shalt  }
0x67: {  	_ =	shalt  }
0x68: {  	_ =	shalt  }
0x69: {  	_ =	shalt  }
0x6a: {  	_ =	shalt  }
0x6b: {  	_ =	shalt  }
0x6c: {  	_ =	shalt  }
0x6d: {  	_ =	shalt  }
0x6e: {  	_ =	shalt  }
0x6f: {  	_ =	shalt  }
0x70: {  	_ =	shalt  }
0x71: {  	_ =	shalt  }
0x72: {  	_ =	shalt  }
0x73: {  	_ =	shalt  }
0x74: {  	_ =	shalt  }
0x75: {  	_ =	shalt  }
0x76: {  	_ =	shalt  }
0x77: {  	_ =	shalt  }
0x78: {  	_ =	shalt  }
0x79: {  	_ =	shalt  }
0x7a: {  	_ =	shalt  }
0x7b: {  	_ =	shalt  }
0x7c: {  	_ =	shalt  }
0x7d: {  	_ =	shalt  }
0x7e: {  	_ =	shalt  }
0x7f: {  	_ =	shalt  }
0x80: {  	_ =	shalt  }
0x81: {  	_ =	shalt  }
0x82: {  	_ =	shalt  }
0x83: {  	_ =	shalt  }
0x84: {  	_ =	shalt  }
0x85: {  	_ =	shalt  }
0x86: {  	_ =	shalt  }
0x87: {  	_ =	shalt  }
.Lfunc_end0:
.L_simem_size_0:
called_computation_lowered:
.L_overlay_start_0:
0x88: {  	s2 =	sld [smem:$0x3FD9]  }
0x89: {  	s3 =	sld [smem:$0x3FFE];
	_ =	sdelay $0x1  }
0x8a: {  	s1 =	srdreg.scid  }
0x8b: {  	s0 =	sand.u32 $0x1, s1  }
0x8c: {  	s14 =	sshll.u32 s0, $0xA;
	s2 =	sadd.s32 s3, s2  }
0x8d: {  	s2 =	sadd.s32 s2, s14  }
0x8e: {  	[smem:$0x3FB9] =	sst s2  }
0x8f: {  	_ = 	snop  }
0x90: {  	s2 =	sld [smem:$0x3FD0];
	_ =	sdelay $0x2  }
0x91: {  	s15 =	simm.s32 $0xA;
	s4 =	simm.s32 $0x10  }
0x92: {  	[smem:s4], [sflag:s15] =	dma.local [hbm:s2], $0x1  }
0x93: {  	_ =	swait.eq [sflag:s15], $0x1  }
0x94: {  	[sflag:s15] =	ssyncset.done $0x0  }
0x95: {  	[sflag:s15] =	ssyncadd.s32 $0xFFFFFFFF  }
0x96: {  	s16 =	sld [smem:$0x11];
	(tm) =	ssettm $0x1  }
0x97: {  	s17 =	sld [smem:$0x3FFB];
	_ =	sdelay $0x3  }
0x98: {  	_ =	strace s17  }
0x99: {  	s3 =	sld [smem:$0x3FFC];
	_ =	sdelay $0x3  }
0x9a: {  	_ =	strace s3  }
0x9b: {  	s3 =	sld [smem:$0x3FFD];
	_ =	sdelay $0x3  }
0x9c: {  	_ =	strace s3  }
0x9d: {  	_ =	strace $0x8FFFFFFF  }
0x9e: {  	s18 =	sld [smem:$0x3FDB];
	_ =	sdelay $0x1  }
0x9f: {  	s19 =	simm.s32 $_scs_section_size  }
0xa0: {  	s5 =	simm.s32 $_size__tile_overlayer_lowered;
	s6 =	simm.s32 $_tile_overlayer_lowered  }
0xa1: {  	s22 =	simm.s32 $0x1BFF;
	s21 =	sshll.u32 s6, $0x1;
	s3 =	sadd.s32 s19, s18  }
0xa2: {  	s7 =	simm.s32 $0x0;
	s20 =	sshll.u32 s5, $0x1;
	s5 =	sadd.s32 s21, s3  }
0xa3: {  	[timem:s7], [sflag:s22] =	dma.local [hbm:s5], s20  }
0xa4: {  	_ =	swait.ge [sflag:s22], s20  }
0xa5: {  	s4 =	ssub.s32 $0x0, s20;
	[sflag:s22] =	ssyncset.done $0x0  }
0xa6: {  	[sflag:s22] =	ssyncadd.s32 s4;
	_ =	sdelay $0x1  }
0xa7: {  	s23 =	simm.s32 $0x1B8B  }
0xa8: {  	_ =	swait.ge [sflag:s23], $0x1  }
0xa9: {  	[sflag:s23] =	ssyncset.done $0x0  }
0xaa: {  	s25 =	simm.s32 $0x1B8E;
	s24 =	sld [smem:$0x3FFE];
	[sflag:s23] =	ssyncadd.s32 $0xFFFFFFFF  }
0xab: {  	s26 =	simm.s32 $execute0_lowered;
	[smem:$0x3FD2] =	sst s25  }
0xac: {  	s5 =	sshll.u32 s26, $0x1;
	_ =	strace $0x80000046;
	[dreg:$0x1] =	wrdreg $0xFFFFFFFF  }
0xad: {  	s28 =	simm.s32 $_size_execute0_lowered;
	s3 =	sadd.s32 s3, s5;
	[dreg:$0x0] =	wrdreg $0x0  }
0xae: {  	s5 =	sshll.u32 s28, $0x1;
	[dreg:$0x2] =	wrdreg s3  }
0xaf: {  	[dreg:$0x3] =	wrdreg s5  }
0xb0: {  	[dreg:$0x4] =	wrdreg $0xC0  }
0xb1: {  	_ =	task [dreg:s7], $0x5FFFF  }
0xb2: {  	[dreg:$0x1] =	wrdreg $0xFFFFFFFF  }
0xb3: {  	[dreg:$0x0] =	wrdreg $0x60  }
0xb4: {  	[dreg:$0x2] =	wrdreg s24  }
0xb5: {  	[dreg:$0x3] =	wrdreg s16  }
0xb6: {  	[dreg:$0x4] =	wrdreg $0xB0000  }
0xb7: {  	[dreg:$0x5] =	wrdreg $0x9  }
0xb8: {  	_ =	task.clear_ibuf [dreg:s7], $0x6FFFF;
	_ =	strace $0x90000046  }
0xb9: {  	s29 =	simm.s32 $0x9;
	_ =	strace $0x80000048  }
0xba: {  	_ =	swait.ge [sflag:s29], $0x1  }
0xbb: {  	[sflag:s29] =	ssyncadd.s32 $0xFFFFFFFF  }
0xbc: {  	_ =	strace $0x90000048  }
0xbd: {  	_ =	sfence  }
0xbe: {  	s30 =	sld [smem:$0x0];
	_ =	sdelay $0x2  }
0xbf: {  	s31 =	sshll.u32 s1, $0xD;
	s1 =	sshrl.u32 s1, $0x2  }
0xc0: {  	s3 =	sand.u32 $0x4000, s31;
	s1 =	sadd.s32 s1, s30  }
0xc1: {  	s0 =	sor.u32 s3, s0;
	s1 =	sshll.u32 s1, $0x11  }
0xc2: {  	s0 =	sor.u32 s1, s0  }
0xc3: {  	s0 =	sadd.s32 $0x8F2B, s0  }
0xc4: {  	[sflag:s0] =	ssyncadd.remote.s32 $0x1  }
0xc5: {  	_ =	sfence.sel $0xFFFF  }
0xc6: {  	[dreg:$0x0] =	wrdreg $0xFFFFFFFF;
	(pc) =	sbr.abs _section_cstart, $3  }
0xc7: {  	[dreg:$0x1] =	wrdreg $0xFFFFFFFF  }
0xc8: {  	_ =	task.clear_ibuf [dreg:s7], $0x2FFFF;
	_ =	strace $0x9FFFFFFF  }
0xc9: {  	(tm) =	ssettm $0x7FFFFFFF  }
tec
execute0_lowered:
.L_overlay_start_1:
0x0: {  	(tag) =	ssettag $0x1  }
0x1: {  	s0 =	rddreg [dreg:$0x0]  }
0x2: {  	s1 =	rddreg [dreg:$0x1]  }
0x3: {  	s2 =	rddreg [dreg:$0x2];
	s3 =	simm.s32 $0x0  }
0x4: {  	s16 =	stileid.u32;
	s4 =	srdreg.scid;
	s14 =	simm.s32 $0x3000  }
0x5: {  	s15 =	simm.s32 $0x2800;
	s19 =	simm.s32 $0x7000;
	s21 =	simm.s32 $0x2  }
0x6: {  	s23 =	simm.s32 $0x1;
	s24 =	simm.s32 $0x2780;
	s28 =	simm.s32 $0x0  }
0x7: {  	[smem:$0x7FF] =	sst s3;
	s5 =	smul.u32 $0x14000, s16;
	s7 =	sand.u32 $0x1, s4  }
0x8: {  	s4 =	sadd.s32 $0x2600, s0;
	s8 =	sshll.u32 s16, $0x1;
	s12 =	smul.u32 $0x50000, s16  }
0x9: {  	s9 =	sadd.s32 $0x9EA00, s0;
	s29 =	smul.u32 $0xA00, s16;
	s31 =	sshll.u32 s16, $0x6  }
0xa: {  	_ =	strace $0x80000047;
	s6 =	smul.u32 $0x140000, s7;
	s8 =	sor.u32 s7, s8  }
0xb: {  	s25 =	ssub.s32 $0x2, s7;
	s13 =	smul.u32 $0x500, s7;
	s16 =	sor.u32 $0x1C04, s31  }
0xc: {  	s10 =	sshrl.u32 s5, $0x3;
	s8 =	smul.u32 $0x500, s8;
	s11 =	sshrl.u32 s25, $0x1  }
0xd: {  	s26 =	sshrl.u32 s12, $0x2;
	s12 =	sadd.s32 s29, s9;
	s5 =	sadd.s32 s5, s6  }
0xe: {  	s10 =	sadd.s32 s10, s0;
	s11 =	ssub.s32 s25, s11;
	s30 =	sadd.s32 s13, s12  }
0xf: {  	s12 =	simm.s32 $0x4;
	s13 =	simm.s32 $0x80;
	s25 =	simm.s32 $0x2F00  }
0x10: {  	s5 =	sshrl.u32 s5, $0x3;
	s6 =	sadd.s32 s9, s8;
	s7 =	sadd.s32 $0xA8A00, s10  }
0x11: {  	s10 =	smax.u32 s11, $0x1;
	s11 =	sadd.s32 $0xA0, s30;
	s0 =	sadd.s32 s5, s0  }
0x12: {  	s5 =	sadd.s32 s1, s8;
	s1 =	sadd.s32 s26, s2;
	s8 =	sadd.s32 $0x80, s6  }
0x13: {  	s26 =	simm.s32 $0x2F80;
	s9 =	sadd.s32 $0xD0A00, s0;
	s17 =	sshrl.u32 s1, $0x3  }
.LBB2_1:
0x14: {  	[tilespmem:s3], [sflag:$0x4] =	stream.linear.gather [hbm4b:s5+s3], $0x2800, $0x38;
	[tilespmem:$0x1F000] =	vst v63  }
0x15: {  	_ =	swait.ge [sflag:s12], $0x2800  }
0x16: {  	[sflag:s12] =	ssyncset.done $0x0  }
0x17: {  	[sflag:s12] =	ssyncadd.s32 $0xFFFFD800  }
0x18: {  	[tilespmem:s14], [sflag:$0x1] =	stream.indirect.gather [hbm4b:s4+s13], $0x80, s3, s13, $0xb8;
	[tilespmem:$0x1F000] =	vst v63  }
0x19: {  	_ = 	snop  }
0x1a: {  	[tilespmem:s15], [sflag:$0x4] =	stream.linear.gather [hbm4b:s6+s3], $0x400, $0x38;
	[tilespmem:$0x1F000] =	vst v63  }
0x1b: {  	_ =	swait.ge [sflag:s12], $0x400  }
0x1c: {  	[sflag:s12] =	ssyncset.done $0x0  }
0x1d: {  	[sflag:s12] =	ssyncadd.s32 $0xFFFFFC00  }
0x1e: {  	[spmem:s17], [sflag:s16] =	dma.local [hbm:s7], $0x2800  }
0x1f: {  	_ =	swait.ge [sflag:s12], $0x2800  }
0x20: {  	[sflag:s12] =	ssyncset.done $0x0  }
0x21: {  	[sflag:s12] =	ssyncadd.s32 $0xFFFFD800  }
0x22: {  	s0 =	simm.s32 $0x2C00;
	[bflag:$0x0] =	sbarrier.arrive $0xFFFF  }
0x23: {  	[tilespmem:s0], [sflag:$0x3] =	stream.linear.gather [hbm4b:s8+s3], $0x400, $0x38;
	[tilespmem:$0x1F000] =	vst v63  }
0x24: {  	_ = 	snop  }
0x25: {  	[tilespmem:s19], [sflag:$0x2] =	stream.indirect.gather [hbm4b:s4+s13], $0x80, s13, s13, $0xb8;
	[tilespmem:$0x1F000] =	vst v63  }
0x26: {  	_ =	swait.ge [sflag:s23], $0x4000  }
0x27: {  	[sflag:s23] =	ssyncset.done $0x0  }
0x28: {  	[sflag:s23] =	ssyncadd.s32 $0xFFFFC000  }
0x29: {  	[spmem:s2] =	stream.indirect.scatter.add.f32 [tilespmem:s14], [sflag:$0x4], $0x80, s15, s13, $0xb8;
	[tilespmem:$0x1F000] =	vst v63  }
0x2a: {  	_ =	swait.ge [sflag:s12], $0x4000  }
0x2b: {  	[sflag:s12] =	ssyncset.done $0x0  }
0x2c: {  	s1 =	simm.s32 $0x100;
	[sflag:s12] =	ssyncadd.s32 $0xFFFFC000  }
0x2d: {  	[tilespmem:s14], [sflag:$0x1] =	stream.indirect.gather [hbm4b:s4+s13], $0x80, s1, s13, $0xb8;
	[tilespmem:$0x1F000] =	vst v63  }
0x2e: {  	_ =	swait.ge [sflag:s21], $0x4000  }
0x2f: {  	s20 =	sand.u32 $0x3, s23;
	[sflag:s21] =	ssyncset.done $0x0  }
0x30: {  	s18 =	simm.s32 $0x2880;
	p0 =	sne.s32 s20, $0x0;
	[sflag:s21] =	ssyncadd.s32 $0xFFFFC000  }
0x31: {  	[spmem:s2] =	stream.indirect.scatter.add.f32 [tilespmem:s19], [sflag:$0x4], $0x80, s18, s13, $0xb8;
	[tilespmem:$0x1F000] =	vst v63  }
0x32: {  	p1 =	por @!p0 $0x0, $0x0;
	_ =	swait.ge [sflag:s12], $0x4000  }
0x33: {  	p1 =	por p1, p0;
	s1 =	simm.s32 $0x0;
	[sflag:s12] =	ssyncset.done $0x0  }
0x34: {  	s1 =	sand.u32 $0x1, s1;
	s18 =	simm.s32 @!p0 $0x3;
	[sflag:s12] =	ssyncadd.s32 $0xFFFFC000  }
0x35: {  	s29 =	sshll.u32 @!p1 s1, $0xA;
	_ =	swait.ge @!p0 [sflag:s18], $0x400  }
0x36: {  	s29 =	sxor.u32 @!p1 $0x400, s29;
	[sflag:s18] =	ssyncset.done @!p0 $0x0  }
0x37: {  	s30 =	simm.s32 @!p1 $0x0;
	s29 =	sor.u32 @!p1 $0x2800, s29;
	[sflag:s18] =	ssyncadd.s32 @!p0 $0xFFFFFC00  }
0x38: {  	[tilespmem:s29], [sflag:$0x3] =	stream.linear.gather @!p1 [hbm4b:s11+s30], $0x400, $0x38;
	[tilespmem:$0x1F000] =	vst v63  }
0x39: {  	s22 =	simm.s32 $0x180  }
0x3a: {  	[tilespmem:s19], [sflag:$0x2] =	stream.indirect.gather [hbm4b:s4+s13], $0x80, s22, s13, $0xb8;
	[tilespmem:$0x1F000] =	vst v63  }
0x3b: {  	s0 =	sshll.u32 s20, $0x8;
	s1 =	sshll.u32 s1, $0xA;
	_ =	swait.ge [sflag:s23], $0x4000  }
0x3c: {  	s0 =	sor.u32 s0, s1;
	[sflag:s23] =	ssyncset.done $0x0  }
0x3d: {  	s1 =	sor.u32 $0x2800, s0;
	[sflag:s23] =	ssyncadd.s32 $0xFFFFC000  }
0x3e: {  	[spmem:s2] =	stream.indirect.scatter.add.f32 [tilespmem:s14], [sflag:$0x4], $0x80, s1, s13, $0xb8;
	[tilespmem:$0x1F000] =	vst v63  }
0x3f: {  	_ =	swait.ge [sflag:s12], $0x4000  }
0x40: {  	s31 =	simm.s32 $0x3;
	s20 =	simm.s32 $0x200;
	[sflag:s12] =	ssyncset.done $0x0  }
0x41: {  	s0 =	sor.u32 $0x2880, s0;
	s22 =	simm.s32 $0x2;
	[sflag:s12] =	ssyncadd.s32 $0xFFFFC000  }
0x42: {  	[tilespmem:s14], [sflag:$0x1] =	stream.indirect.gather [hbm4b:s4+s13], $0x80, s20, s13, $0xb8;
	[tilespmem:$0x1F000] =	vst v63  }
0x43: {  	s18 =	simm.s32 $0x0;
	s1 =	sand.u32 $0x3, s22;
	_ =	swait.ge [sflag:s21], $0x4000  }
0x44: {  	s30 =	sadd.s32 $0x20, s11;
	p0 =	sne.s32 s1, $0x0;
	[sflag:s21] =	ssyncset.done $0x0  }
0x45: {  	s29 =	simm.s32 $0x300;
	p2 =	por @!p0 $0x0, $0x0;
	[sflag:s21] =	ssyncadd.s32 $0xFFFFC000  }
0x46: {  	[spmem:s2] =	stream.indirect.scatter.add.f32 [tilespmem:s19], [sflag:$0x4], $0x80, s0, s13, $0xb8;
	[tilespmem:$0x1F000] =	vst v63  }
0x47: {  	s0 =	sshll.u32 s1, $0x8;
	s1 =	simm.s32 @!p0 $0x3;
	_ =	swait.ge [sflag:s12], $0x4000  }
.LBB2_2:
0x48: {  	s18 =	sand.u32 $0x1, s18;
	p1 =	por p2, p0;
	[sflag:s12] =	ssyncset.done $0x0  }
0x49: {  	s20 =	sshll.u32 @!p1 s18, $0xA;
	s18 =	sshll.u32 s18, $0xA;
	[sflag:s12] =	ssyncadd.s32 $0xFFFFC000  }
0x4a: {  	_ =	swait.ge @!p0 [sflag:s1], $0x400;
	s20 =	sxor.u32 @!p1 $0x400, s20;
	s0 =	sor.u32 s0, s18  }
0x4b: {  	[sflag:s1] =	ssyncset.done @!p0 $0x0;
	s18 =	sor.u32 @!p1 $0x2800, s20;
	s20 =	simm.s32 @!p1 $0x0  }
0x4c: {  	s22 =	smov.u32 s31;
	s31 =	sadd.s32 $0x1, s31;
	[sflag:s1] =	ssyncadd.s32 @!p0 $0xFFFFFC00  }
0x4d: {  	[tilespmem:s18], [sflag:$0x3] =	stream.linear.gather @!p1 [hbm4b:s30+s20], $0x400, $0x38;
	[tilespmem:$0x1F000] =	vst v63  }
0x4e: {  	s1 =	sadd.s32 $0xFFFFFF80, s29;
	p1 =	sne.s32 s31, $0x27;
	s18 =	smov.u32 s29  }
0x4f: {  	[tilespmem:s19], [sflag:$0x2] =	stream.indirect.gather [hbm4b:s4+s13], $0x80, s1, s13, $0xb8;
	[tilespmem:$0x1F000] =	vst v63  }
0x50: {  	_ =	swait.ge [sflag:s23], $0x4000  }
0x51: {  	[sflag:s23] =	ssyncset.done $0x0  }
0x52: {  	s1 =	sor.u32 $0x2800, s0;
	[sflag:s23] =	ssyncadd.s32 $0xFFFFC000  }
0x53: {  	[spmem:s2] =	stream.indirect.scatter.add.f32 [tilespmem:s14], [sflag:$0x4], $0x80, s1, s13, $0xb8;
	[tilespmem:$0x1F000] =	vst v63  }
0x54: {  	_ =	swait.ge [sflag:s12], $0x4000  }
0x55: {  	[sflag:s12] =	ssyncset.done $0x0  }
0x56: {  	s30 =	sadd.s32 $0x20, s30;
	s29 =	sadd.s32 $0x100, s29;
	[sflag:s12] =	ssyncadd.s32 $0xFFFFC000  }
0x57: {  	[tilespmem:s14], [sflag:$0x1] =	stream.indirect.gather [hbm4b:s4+s13], $0x80, s18, s13, $0xb8;
	[tilespmem:$0x1F000] =	vst v63  }
.Ltmp0:
0x58: {  	s18 =	sshrl.u32 s22, $0x2;
	_ =	swait.ge [sflag:s21], $0x4000;
	(pc) =	sbr.rel @p1 .LBB2_2-.Ltmp0, $4  }
0x59: {  	s20 =	sor.u32 $0x2880, s0;
	s1 =	sand.u32 $0x3, s22;
	[sflag:s21] =	ssyncset.done $0x0  }
0x5a: {  	p0 =	sne.s32 s1, $0x0;
	s0 =	sshll.u32 s1, $0x8;
	[sflag:s21] =	ssyncadd.s32 $0xFFFFC000  }
0x5b: {  	[spmem:s2] =	stream.indirect.scatter.add.f32 [tilespmem:s19], [sflag:$0x4], $0x80, s20, s13, $0xb8;
	[tilespmem:$0x1F000] =	vst v63  }
0x5c: {  	s1 =	simm.s32 @!p0 $0x3;
	p2 =	sgt.u32 @!p0 s22, $0x23;
	_ =	swait.ge [sflag:s12], $0x4000  }
0x5d: {  	[sflag:s12] =	ssyncset.done $0x0  }
0x5e: {  	s18 =	sand.u32 $0x1, s18;
	p1 =	por p2, p0;
	[sflag:s12] =	ssyncadd.s32 $0xFFFFC000  }
0x5f: {  	s20 =	sshll.u32 @!p1 s18, $0xA;
	_ =	swait.ge @!p0 [sflag:s1], $0x400  }
0x60: {  	s20 =	sxor.u32 @!p1 $0x400, s20;
	[sflag:s1] =	ssyncset.done @!p0 $0x0  }
0x61: {  	s20 =	sor.u32 @!p1 $0x2800, s20;
	[sflag:s1] =	ssyncadd.s32 @!p0 $0xFFFFFC00;
	s1 =	simm.s32 @!p1 $0x0  }
0x62: {  	[tilespmem:s20], [sflag:$0x3] =	stream.linear.gather @!p1 [hbm4b:s30+s1], $0x400, $0x38;
	[tilespmem:$0x1F000] =	vst v63  }
0x63: {  	s30 =	sadd.s32 $0xFFFFFF80, s29  }
0x64: {  	[tilespmem:s19], [sflag:$0x2] =	stream.indirect.gather [hbm4b:s4+s13], $0x80, s30, s13, $0xb8;
	[tilespmem:$0x1F000] =	vst v63  }
0x65: {  	s31 =	sshll.u32 s18, $0xA;
	_ =	swait.ge [sflag:s23], $0x4000  }
0x66: {  	s0 =	sor.u32 s0, s31;
	[sflag:s23] =	ssyncset.done $0x0  }
0x67: {  	s1 =	sor.u32 $0x2800, s0;
	[sflag:s23] =	ssyncadd.s32 $0xFFFFC000  }
0x68: {  	[spmem:s2] =	stream.indirect.scatter.add.f32 [tilespmem:s14], [sflag:$0x4], $0x80, s1, s13, $0xb8;
	[tilespmem:$0x1F000] =	vst v63  }
0x69: {  	_ =	swait.ge [sflag:s12], $0x4000  }
0x6a: {  	[sflag:s12] =	ssyncset.done $0x0  }
0x6b: {  	[sflag:s12] =	ssyncadd.s32 $0xFFFFC000  }
0x6c: {  	[tilespmem:s14], [sflag:$0x1] =	stream.indirect.gather [hbm4b:s4+s13], $0x80, s29, s13, $0xb8;
	[tilespmem:$0x1F000] =	vst v63  }
0x6d: {  	_ =	swait.ge [sflag:s21], $0x4000  }
0x6e: {  	[sflag:s21] =	ssyncset.done $0x0  }
0x6f: {  	s0 =	sor.u32 $0x2880, s0;
	[sflag:s21] =	ssyncadd.s32 $0xFFFFC000  }
0x70: {  	[spmem:s2] =	stream.indirect.scatter.add.f32 [tilespmem:s19], [sflag:$0x4], $0x80, s0, s13, $0xb8;
	[tilespmem:$0x1F000] =	vst v63  }
0x71: {  	_ =	swait.ge [sflag:s12], $0x4000  }
0x72: {  	[sflag:s12] =	ssyncset.done $0x0  }
0x73: {  	[sflag:s12] =	ssyncadd.s32 $0xFFFFC000  }
0x74: {  	[tilespmem:s19], [sflag:$0x2] =	stream.indirect.gather [hbm4b:s4+s13], $0x80, s24, s13, $0xb8;
	[tilespmem:$0x1F000] =	vst v63  }
0x75: {  	_ =	swait.ge [sflag:s23], $0x4000  }
0x76: {  	[sflag:s23] =	ssyncset.done $0x0  }
0x77: {  	[sflag:s23] =	ssyncadd.s32 $0xFFFFC000  }
0x78: {  	[spmem:s2] =	stream.indirect.scatter.add.f32 [tilespmem:s14], [sflag:$0x4], $0x80, s25, s13, $0xb8;
	[tilespmem:$0x1F000] =	vst v63  }
0x79: {  	_ =	swait.ge [sflag:s12], $0x4000  }
0x7a: {  	[sflag:s12] =	ssyncset.done $0x0  }
0x7b: {  	[sflag:s12] =	ssyncadd.s32 $0xFFFFC000  }
0x7c: {  	_ =	swait.ge [sflag:s21], $0x4000  }
0x7d: {  	[sflag:s21] =	ssyncset.done $0x0  }
0x7e: {  	[sflag:s21] =	ssyncadd.s32 $0xFFFFC000  }
0x7f: {  	[spmem:s2] =	stream.indirect.scatter.add.f32 [tilespmem:s19], [sflag:$0x4], $0x80, s26, s13, $0xb8;
	[tilespmem:$0x1F000] =	vst v63  }
0x80: {  	_ =	swait.ge [sflag:s12], $0x4000  }
0x81: {  	s28 =	sadd.s32 $0x1, s28;
	[sflag:s12] =	ssyncset.done $0x0  }
0x82: {  	p0 =	sne.s32 s28, s10;
	[sflag:s12] =	ssyncadd.s32 $0xFFFFC000  }
.Ltmp1:
0x83: {  	[bflag:$0x0] =	sbarrier.arrive $0xFFFF;
	(pc) =	sbr.rel @p0 .LBB2_1-.Ltmp1, $4  }
0x84: {  	[hbm:s9], [sflag:s16] =	dma.local [spmem:s17], $0x2800  }
0x85: {  	_ =	swait.ge [sflag:s12], $0x2800  }
0x86: {  	[sflag:s12] =	ssyncset.done $0x0  }
0x87: {  	[sflag:s12] =	ssyncadd.s32 $0xFFFFD800  }
0x88: {  	_ =	sfence.sel $0x180000  }
0x89: {  	[bflag:$0x0] =	sbarrier.arrive $0xFFFF  }
0x8a: {  	_ =	strace $0x90000047  }
0x8b: {  	s0 =	stileid.u32;
	[bflag:$0x2] =	sbarrier.arrive $0xFFFF  }
0x8c: {  	p0 =	sne.s32 s0, $0x0;
	s0 =	rddreg [dreg:$0x3]  }
0x8d: {  	s0 =	sadd.s32 @!p0 $0x100000, s0  }
0x8e: {  	[sflag:s0] =	ssyncadd.tile.s32 @!p0 $0x1;
	_ =	shalt  }
.Lfunc_end2:
_tile_overlayer_lowered:
.L_overlay_start_2:
0x8f: {  	(tag) =	ssettag $0x2  }
0x90: {  	s0 =	rddreg [dreg:$0x0];
	s2 =	stileid.u32  }
0x91: {  	s1 =	rddreg [dreg:$0x1];
	p0 =	sne.s32 s2, $0x0  }
0x92: {  	s3 =	rddreg [dreg:$0x2];
	[bflag:$0x3] =	sbarrier.arrive $0xFFFF;
	s2 =	simm.s32 @!p0 $0x1C04  }
0x93: {  	[timem:s3], [sflag:s2] =	dma.local @!p0 [hbm:s0], s1  }
0x94: {  	s0 =	simm.s32 @!p0 $0x4  }
0x95: {  	_ =	swait.ge @!p0 [sflag:s0], s1  }
0x96: {  	s1 =	ssub.s32 @!p0 $0x0, s1;
	[sflag:s0] =	ssyncset.done @!p0 $0x0  }
0x97: {  	[sflag:s0] =	ssyncadd.s32 @!p0 s1  }
0x98: {  	[bflag:$0x3] =	sbarrier.arrive $0xFFFF  }
0x99: {  	_ =	shalt  }

// kernel: kernel.13.cloned.1.call-start
scs
__scs_entry_jumppad:
0x0: {  	(pc) =	sbr.rel $0x88, $3  }
0x1: {  	(tag) =	ssettag $0x0;
	lr =	simm.s32 $0x1  }
0x2: {  	[smem:$0x3F92] =	sst lr;
	_ =	strace $0xD0000000  }
0x3: {  	_ = 	snop  }
0x4: {  	_ = 	snop  }
0x5: {  	_ = 	snop  }
0x6: {  	_ = 	snop  }
0x7: {  	_ = 	snop  }
__scs_overlays_trampoline_lowered:
0x8: {  	[smem:$0x3FA1] =	sst s0  }
0x9: {  	[smem:$0x3FA2] =	sst s1  }
0xa: {  	[smem:$0x3FA3] =	sst s2  }
0xb: {  	[smem:$0x3FA4] =	sst s3  }
0xc: {  	[smem:$0x3FA5] =	sst s4  }
0xd: {  	[smem:$0x3FA6] =	sst s5  }
0xe: {  	[smem:$0x3FA7] =	sst s6  }
0xf: {  	[smem:$0x3FA8] =	sst s7  }
0x10: {  	[smem:$0x3FA9] =	sst s8  }
0x11: {  	[smem:$0x3FAA] =	sst s9;
	s0 =	simm.s32 @!p0 $0x0  }
0x12: {  	s1 =	sld [smem:$0x3F90];
	s0 =	simm.s32 @p0 $0x1  }
0x13: {  	[smem:$0x3FAB] =	sst s0;
	s0 =	simm.s32 @!p1 $0x0  }
0x14: {  	s2 =	sld [smem:$0x3F8F];
	s0 =	simm.s32 @p1 $0x1  }
0x15: {  	[smem:$0x3FAC] =	sst s0;
	s0 =	simm.s32 @!p2 $0x0  }
0x16: {  	s3 =	sld [smem:$0x3FDB];
	s0 =	simm.s32 @p2 $0x1  }
0x17: {  	s4 =	simm.s32 $0x1BF5;
	[smem:$0x3FAE] =	sst s0  }
0x18: {  	s0 =	sld [smem:$0x3F91];
	_ =	swait.ge [sflag:s4], $0x0  }
0x19: {  	s7 =	sld [smem:$0x3F92]  }
0x1a: {  	s8 =	sadd.s32 $0xFFFFE003, lr  }
0x1b: {  	s9 =	sadd.s32 $0xFFFFFEF7, lr;
	s5 =	simm.s32 $0xFFFFFFFF;
	p2 =	slt.u32 s8, $0xFFFFF086  }
0x1c: {  	p1 =	slt.u32 s9, $0xF7A;
	s5 =	simm.s32 @!p2 $0x0  }
0x1d: {  	s5 =	simm.s32 @p1 $0x1;
	p0 =	seq.s32 s7, s2  }
0x1e: {  	s7 =	smul.u32 @!p0 $0xF7A, s2;
	p2 =	seq.s32 @!p0 s5, $0x0  }
0x1f: {  	s9 =	smul.u32 $0xF7A, s1;
	s8 =	simm.s32 @!p0 $0x1BF5;
	p2 =	por !p2, p0  }
0x20: {  	[sflag:s8] =	ssyncset.s32 @!p0 $0xFFFFF086;
	s6 =	sadd.s32 @!p0 s3, s7;
	s7 =	simm.s32 @!p0 $0x108  }
0x21: {  	s3 =	sadd.s32 s3, s9;
	s6 =	sadd.s32 @!p0 $0x88, s6;
	s7 =	simm.s32 @p2 $0x1082  }
0x22: {  	[simem:s7], [sflag:s8] =	dma.local @!p0 [hbm:s6], $0xF7A  }
0x23: {  	s9 =	sor.u32 $0xD0000000, s2;
	s6 =	simm.s32 $0x108;
	_ =	swait.ge @!p0 [sflag:s8], $0x0  }
0x24: {  	s3 =	sadd.s32 $0x88, s3;
	s6 =	simm.s32 @!p1 $0x1082;
	[sflag:s4] =	ssyncset.s32 $0xFFFFF086  }
0x25: {  	[simem:s6], [sflag:s4] =	dma.local [hbm:s3], $0xF7A  }
0x26: {  	[smem:$0x3F92] =	sst s1;
	(tag) =	ssettag s2;
	_ =	strace s9  }
0x27: {  	s1 =	sld [smem:$0x3FA2]  }
0x28: {  	s2 =	sld [smem:$0x3FA3]  }
0x29: {  	s4 =	sld [smem:$0x3FA5]  }
0x2a: {  	p0 =	seq.s32 s5, $0x0;
	s5 =	sld [smem:$0x3FA6]  }
0x2b: {  	s6 =	sld [smem:$0x3FA7]  }
0x2c: {  	s7 =	sld [smem:$0x3FA8]  }
0x2d: {  	s3 =	simm.s32 $0x108;
	s8 =	sld [smem:$0x3FA9]  }
0x2e: {  	s3 =	simm.s32 @!p0 $0x1082;
	s9 =	sld [smem:$0x3FAA]  }
0x2f: {  	lr =	sadd.s32 s0, s3;
	s0 =	sld [smem:$0x3FA1]  }
0x30: {  	s3 =	sld [smem:$0x3FA4]  }
0x31: {  	[smem:$0x3FAD] =	sst s10  }
0x32: {  	s10 =	sld [smem:$0x3FAB];
	_ =	sdelay $0x3  }
0x33: {  	p0 =	seq.s32 s10, $0x1;
	s10 =	sld [smem:$0x3FAD];
	_ =	sdelay $0x3  }
0x34: {  	[smem:$0x3FAD] =	sst s10  }
0x35: {  	s10 =	sld [smem:$0x3FAC];
	_ =	sdelay $0x3  }
0x36: {  	p1 =	seq.s32 s10, $0x1;
	s10 =	sld [smem:$0x3FAD];
	_ =	sdelay $0x3  }
0x37: {  	[smem:$0x3FAD] =	sst s10  }
0x38: {  	s10 =	sld [smem:$0x3FAE]  }
0x39: {  	_ = 	snop;
	(pc) =	sbr.ind lr, $3  }
0x3a: {  	_ = 	snop  }
0x3b: {  	_ = 	snop  }
0x3c: {  	p2 =	seq.s32 s10, $0x1;
	s10 =	sld [smem:$0x3FAD]  }
0x3d: {  	_ =	shalt  }
0x3e: {  	_ =	shalt  }
0x3f: {  	_ =	shalt  }
0x40: {  	_ =	shalt  }
0x41: {  	_ =	shalt  }
0x42: {  	_ =	shalt  }
0x43: {  	_ =	shalt  }
0x44: {  	_ =	shalt  }
0x45: {  	_ =	shalt  }
0x46: {  	_ =	shalt  }
0x47: {  	_ =	shalt  }
0x48: {  	_ =	shalt  }
0x49: {  	_ =	shalt  }
0x4a: {  	_ =	shalt  }
0x4b: {  	_ =	shalt  }
0x4c: {  	_ =	shalt  }
0x4d: {  	_ =	shalt  }
0x4e: {  	_ =	shalt  }
0x4f: {  	_ =	shalt  }
0x50: {  	_ =	shalt  }
0x51: {  	_ =	shalt  }
0x52: {  	_ =	shalt  }
0x53: {  	_ =	shalt  }
0x54: {  	_ =	shalt  }
0x55: {  	_ =	shalt  }
0x56: {  	_ =	shalt  }
0x57: {  	_ =	shalt  }
0x58: {  	_ =	shalt  }
0x59: {  	_ =	shalt  }
0x5a: {  	_ =	shalt  }
0x5b: {  	_ =	shalt  }
0x5c: {  	_ =	shalt  }
0x5d: {  	_ =	shalt  }
0x5e: {  	_ =	shalt  }
0x5f: {  	_ =	shalt  }
0x60: {  	_ =	shalt  }
0x61: {  	_ =	shalt  }
0x62: {  	_ =	shalt  }
0x63: {  	_ =	shalt  }
0x64: {  	_ =	shalt  }
0x65: {  	_ =	shalt  }
0x66: {  	_ =	shalt  }
0x67: {  	_ =	shalt  }
0x68: {  	_ =	shalt  }
0x69: {  	_ =	shalt  }
0x6a: {  	_ =	shalt  }
0x6b: {  	_ =	shalt  }
0x6c: {  	_ =	shalt  }
0x6d: {  	_ =	shalt  }
0x6e: {  	_ =	shalt  }
0x6f: {  	_ =	shalt  }
0x70: {  	_ =	shalt  }
0x71: {  	_ =	shalt  }
0x72: {  	_ =	shalt  }
0x73: {  	_ =	shalt  }
0x74: {  	_ =	shalt  }
0x75: {  	_ =	shalt  }
0x76: {  	_ =	shalt  }
0x77: {  	_ =	shalt  }
0x78: {  	_ =	shalt  }
0x79: {  	_ =	shalt  }
0x7a: {  	_ =	shalt  }
0x7b: {  	_ =	shalt  }
0x7c: {  	_ =	shalt  }
0x7d: {  	_ =	shalt  }
0x7e: {  	_ =	shalt  }
0x7f: {  	_ =	shalt  }
0x80: {  	_ =	shalt  }
0x81: {  	_ =	shalt  }
0x82: {  	_ =	shalt  }
0x83: {  	_ =	shalt  }
0x84: {  	_ =	shalt  }
0x85: {  	_ =	shalt  }
0x86: {  	_ =	shalt  }
0x87: {  	_ =	shalt  }
.Lfunc_end0:
.L_simem_size_0:
called_computation.1_lowered:
.L_overlay_start_0:
0x88: {  	s2 =	sld [smem:$0x3FD9]  }
0x89: {  	s3 =	sld [smem:$0x3FFE];
	_ =	sdelay $0x1  }
0x8a: {  	s1 =	srdreg.scid  }
0x8b: {  	s0 =	sand.u32 $0x1, s1  }
0x8c: {  	s14 =	sshll.u32 s0, $0xA;
	s2 =	sadd.s32 s3, s2  }
0x8d: {  	s2 =	sadd.s32 s2, s14  }
0x8e: {  	[smem:$0x3FB9] =	sst s2  }
0x8f: {  	_ = 	snop  }
0x90: {  	s2 =	sld [smem:$0x3FD0];
	_ =	sdelay $0x2  }
0x91: {  	s15 =	simm.s32 $0xA;
	s4 =	simm.s32 $0x10  }
0x92: {  	[smem:s4], [sflag:s15] =	dma.local [hbm:s2], $0x1  }
0x93: {  	_ =	swait.eq [sflag:s15], $0x1  }
0x94: {  	[sflag:s15] =	ssyncset.done $0x0  }
0x95: {  	[sflag:s15] =	ssyncadd.s32 $0xFFFFFFFF  }
0x96: {  	s16 =	sld [smem:$0x11];
	(tm) =	ssettm $0x1  }
0x97: {  	s17 =	sld [smem:$0x3FFB];
	_ =	sdelay $0x3  }
0x98: {  	_ =	strace s17  }
0x99: {  	s3 =	sld [smem:$0x3FFC];
	_ =	sdelay $0x3  }
0x9a: {  	_ =	strace s3  }
0x9b: {  	s3 =	sld [smem:$0x3FFD];
	_ =	sdelay $0x3  }
0x9c: {  	_ =	strace s3  }
0x9d: {  	_ =	strace $0x8FFFFFFF  }
0x9e: {  	s18 =	sld [smem:$0x3FDB];
	_ =	sdelay $0x1  }
0x9f: {  	s19 =	simm.s32 $_scs_section_size  }
0xa0: {  	s5 =	simm.s32 $_size__tile_overlayer_lowered;
	s6 =	simm.s32 $_tile_overlayer_lowered  }
0xa1: {  	s22 =	simm.s32 $0x1BFF;
	s21 =	sshll.u32 s6, $0x1;
	s3 =	sadd.s32 s19, s18  }
0xa2: {  	s7 =	simm.s32 $0x0;
	s20 =	sshll.u32 s5, $0x1;
	s5 =	sadd.s32 s21, s3  }
0xa3: {  	[timem:s7], [sflag:s22] =	dma.local [hbm:s5], s20  }
0xa4: {  	_ =	swait.ge [sflag:s22], s20  }
0xa5: {  	s4 =	ssub.s32 $0x0, s20;
	[sflag:s22] =	ssyncset.done $0x0  }
0xa6: {  	[sflag:s22] =	ssyncadd.s32 s4;
	_ =	sdelay $0x1  }
0xa7: {  	s23 =	simm.s32 $0x1B8B  }
0xa8: {  	_ =	swait.ge [sflag:s23], $0x1  }
0xa9: {  	[sflag:s23] =	ssyncset.done $0x0  }
0xaa: {  	s25 =	simm.s32 $0x1B8E;
	s24 =	sld [smem:$0x3FFE];
	[sflag:s23] =	ssyncadd.s32 $0xFFFFFFFF  }
0xab: {  	s26 =	simm.s32 $execute0_lowered;
	[smem:$0x3FD2] =	sst s25  }
0xac: {  	s5 =	sshll.u32 s26, $0x1;
	_ =	strace $0x80000049;
	[dreg:$0x1] =	wrdreg $0xFFFFFFFF  }
0xad: {  	s28 =	simm.s32 $_size_execute0_lowered;
	s3 =	sadd.s32 s3, s5;
	[dreg:$0x0] =	wrdreg $0x0  }
0xae: {  	s5 =	sshll.u32 s28, $0x1;
	[dreg:$0x2] =	wrdreg s3  }
0xaf: {  	[dreg:$0x3] =	wrdreg s5  }
0xb0: {  	[dreg:$0x4] =	wrdreg $0xC0  }
0xb1: {  	_ =	task [dreg:s7], $0x5FFFF  }
0xb2: {  	[dreg:$0x1] =	wrdreg $0xFFFFFFFF  }
0xb3: {  	[dreg:$0x0] =	wrdreg $0x60  }
0xb4: {  	[dreg:$0x2] =	wrdreg s24  }
0xb5: {  	[dreg:$0x3] =	wrdreg s16  }
0xb6: {  	[dreg:$0x4] =	wrdreg $0xB0000  }
0xb7: {  	[dreg:$0x5] =	wrdreg $0x9  }
0xb8: {  	_ =	task.clear_ibuf [dreg:s7], $0x6FFFF;
	_ =	strace $0x90000049  }
0xb9: {  	s29 =	simm.s32 $0x9;
	_ =	strace $0x8000004B  }
0xba: {  	_ =	swait.ge [sflag:s29], $0x1  }
0xbb: {  	[sflag:s29] =	ssyncadd.s32 $0xFFFFFFFF  }
0xbc: {  	_ =	strace $0x9000004B  }
0xbd: {  	_ =	sfence  }
0xbe: {  	s30 =	sld [smem:$0x0];
	_ =	sdelay $0x2  }
0xbf: {  	s31 =	sshll.u32 s1, $0xD;
	s1 =	sshrl.u32 s1, $0x2  }
0xc0: {  	s3 =	sand.u32 $0x4000, s31;
	s1 =	sadd.s32 s1, s30  }
0xc1: {  	s0 =	sor.u32 s3, s0;
	s1 =	sshll.u32 s1, $0x11  }
0xc2: {  	s0 =	sor.u32 s1, s0  }
0xc3: {  	s0 =	sadd.s32 $0x8F2B, s0  }
0xc4: {  	[sflag:s0] =	ssyncadd.remote.s32 $0x1  }
0xc5: {  	_ =	sfence.sel $0xFFFF  }
0xc6: {  	[dreg:$0x0] =	wrdreg $0xFFFFFFFF;
	(pc) =	sbr.abs _section_cstart, $3  }
0xc7: {  	[dreg:$0x1] =	wrdreg $0xFFFFFFFF  }
0xc8: {  	_ =	task.clear_ibuf [dreg:s7], $0x2FFFF;
	_ =	strace $0x9FFFFFFF  }
0xc9: {  	(tm) =	ssettm $0x7FFFFFFF  }
tec
execute0_lowered:
.L_overlay_start_1:
0x0: {  	(tag) =	ssettag $0x1  }
0x1: {  	s0 =	rddreg [dreg:$0x0]  }
0x2: {  	s1 =	rddreg [dreg:$0x1]  }
0x3: {  	s2 =	rddreg [dreg:$0x2];
	s3 =	simm.s32 $0x0  }
0x4: {  	s16 =	stileid.u32;
	s4 =	srdreg.scid;
	s14 =	simm.s32 $0x3000  }
0x5: {  	s15 =	simm.s32 $0x2800;
	s19 =	simm.s32 $0x7000;
	s21 =	simm.s32 $0x2  }
0x6: {  	s23 =	simm.s32 $0x1;
	s24 =	simm.s32 $0x2780;
	s28 =	simm.s32 $0x0  }
0x7: {  	[smem:$0x7FF] =	sst s3;
	s5 =	smul.u32 $0x14000, s16;
	s7 =	sand.u32 $0x1, s4  }
0x8: {  	s4 =	sadd.s32 $0x2600, s0;
	s8 =	sshll.u32 s16, $0x1;
	s12 =	smul.u32 $0x50000, s16  }
0x9: {  	s9 =	sadd.s32 $0x9EA00, s0;
	s29 =	smul.u32 $0xA00, s16;
	s31 =	sshll.u32 s16, $0x6  }
0xa: {  	_ =	strace $0x8000004A;
	s6 =	smul.u32 $0x140000, s7;
	s8 =	sor.u32 s7, s8  }
0xb: {  	s25 =	ssub.s32 $0x2, s7;
	s13 =	smul.u32 $0x500, s7;
	s16 =	sor.u32 $0x1C04, s31  }
0xc: {  	s10 =	sshrl.u32 s5, $0x3;
	s8 =	smul.u32 $0x500, s8;
	s11 =	sshrl.u32 s25, $0x1  }
0xd: {  	s26 =	sshrl.u32 s12, $0x2;
	s12 =	sadd.s32 s29, s9;
	s5 =	sadd.s32 s5, s6  }
0xe: {  	s10 =	sadd.s32 s10, s0;
	s11 =	ssub.s32 s25, s11;
	s30 =	sadd.s32 s13, s12  }
0xf: {  	s12 =	simm.s32 $0x4;
	s13 =	simm.s32 $0x80;
	s25 =	simm.s32 $0x2F00  }
0x10: {  	s5 =	sshrl.u32 s5, $0x3;
	s6 =	sadd.s32 s9, s8;
	s7 =	sadd.s32 $0xA8A00, s10  }
0x11: {  	s10 =	smax.u32 s11, $0x1;
	s11 =	sadd.s32 $0xA0, s30;
	s0 =	sadd.s32 s5, s0  }
0x12: {  	s5 =	sadd.s32 s1, s8;
	s1 =	sadd.s32 s26, s2;
	s8 =	sadd.s32 $0x80, s6  }
0x13: {  	s26 =	simm.s32 $0x2F80;
	s9 =	sadd.s32 $0xD0A00, s0;
	s17 =	sshrl.u32 s1, $0x3  }
.LBB2_1:
0x14: {  	[tilespmem:s3], [sflag:$0x4] =	stream.linear.gather [hbm4b:s5+s3], $0x2800, $0x38;
	[tilespmem:$0x1F000] =	vst v63  }
0x15: {  	_ =	swait.ge [sflag:s12], $0x2800  }
0x16: {  	[sflag:s12] =	ssyncset.done $0x0  }
0x17: {  	[sflag:s12] =	ssyncadd.s32 $0xFFFFD800  }
0x18: {  	[tilespmem:s14], [sflag:$0x1] =	stream.indirect.gather [hbm4b:s4+s13], $0x80, s3, s13, $0xb8;
	[tilespmem:$0x1F000] =	vst v63  }
0x19: {  	_ = 	snop  }
0x1a: {  	[tilespmem:s15], [sflag:$0x4] =	stream.linear.gather [hbm4b:s6+s3], $0x400, $0x38;
	[tilespmem:$0x1F000] =	vst v63  }
0x1b: {  	_ =	swait.ge [sflag:s12], $0x400  }
0x1c: {  	[sflag:s12] =	ssyncset.done $0x0  }
0x1d: {  	[sflag:s12] =	ssyncadd.s32 $0xFFFFFC00  }
0x1e: {  	[spmem:s17], [sflag:s16] =	dma.local [hbm:s7], $0x2800  }
0x1f: {  	_ =	swait.ge [sflag:s12], $0x2800  }
0x20: {  	[sflag:s12] =	ssyncset.done $0x0  }
0x21: {  	[sflag:s12] =	ssyncadd.s32 $0xFFFFD800  }
0x22: {  	s0 =	simm.s32 $0x2C00;
	[bflag:$0x0] =	sbarrier.arrive $0xFFFF  }
0x23: {  	[tilespmem:s0], [sflag:$0x3] =	stream.linear.gather [hbm4b:s8+s3], $0x400, $0x38;
	[tilespmem:$0x1F000] =	vst v63  }
0x24: {  	_ = 	snop  }
0x25: {  	[tilespmem:s19], [sflag:$0x2] =	stream.indirect.gather [hbm4b:s4+s13], $0x80, s13, s13, $0xb8;
	[tilespmem:$0x1F000] =	vst v63  }
0x26: {  	_ =	swait.ge [sflag:s23], $0x4000  }
0x27: {  	[sflag:s23] =	ssyncset.done $0x0  }
0x28: {  	[sflag:s23] =	ssyncadd.s32 $0xFFFFC000  }
0x29: {  	[spmem:s2] =	stream.indirect.scatter.add.f32 [tilespmem:s14], [sflag:$0x4], $0x80, s15, s13, $0xb8;
	[tilespmem:$0x1F000] =	vst v63  }
0x2a: {  	_ =	swait.ge [sflag:s12], $0x4000  }
0x2b: {  	[sflag:s12] =	ssyncset.done $0x0  }
0x2c: {  	s1 =	simm.s32 $0x100;
	[sflag:s12] =	ssyncadd.s32 $0xFFFFC000  }
0x2d: {  	[tilespmem:s14], [sflag:$0x1] =	stream.indirect.gather [hbm4b:s4+s13], $0x80, s1, s13, $0xb8;
	[tilespmem:$0x1F000] =	vst v63  }
0x2e: {  	_ =	swait.ge [sflag:s21], $0x4000  }
0x2f: {  	s20 =	sand.u32 $0x3, s23;
	[sflag:s21] =	ssyncset.done $0x0  }
0x30: {  	s18 =	simm.s32 $0x2880;
	p0 =	sne.s32 s20, $0x0;
	[sflag:s21] =	ssyncadd.s32 $0xFFFFC000  }
0x31: {  	[spmem:s2] =	stream.indirect.scatter.add.f32 [tilespmem:s19], [sflag:$0x4], $0x80, s18, s13, $0xb8;
	[tilespmem:$0x1F000] =	vst v63  }
0x32: {  	p1 =	por @!p0 $0x0, $0x0;
	_ =	swait.ge [sflag:s12], $0x4000  }
0x33: {  	p1 =	por p1, p0;
	s1 =	simm.s32 $0x0;
	[sflag:s12] =	ssyncset.done $0x0  }
0x34: {  	s1 =	sand.u32 $0x1, s1;
	s18 =	simm.s32 @!p0 $0x3;
	[sflag:s12] =	ssyncadd.s32 $0xFFFFC000  }
0x35: {  	s29 =	sshll.u32 @!p1 s1, $0xA;
	_ =	swait.ge @!p0 [sflag:s18], $0x400  }
0x36: {  	s29 =	sxor.u32 @!p1 $0x400, s29;
	[sflag:s18] =	ssyncset.done @!p0 $0x0  }
0x37: {  	s30 =	simm.s32 @!p1 $0x0;
	s29 =	sor.u32 @!p1 $0x2800, s29;
	[sflag:s18] =	ssyncadd.s32 @!p0 $0xFFFFFC00  }
0x38: {  	[tilespmem:s29], [sflag:$0x3] =	stream.linear.gather @!p1 [hbm4b:s11+s30], $0x400, $0x38;
	[tilespmem:$0x1F000] =	vst v63  }
0x39: {  	s22 =	simm.s32 $0x180  }
0x3a: {  	[tilespmem:s19], [sflag:$0x2] =	stream.indirect.gather [hbm4b:s4+s13], $0x80, s22, s13, $0xb8;
	[tilespmem:$0x1F000] =	vst v63  }
0x3b: {  	s0 =	sshll.u32 s20, $0x8;
	s1 =	sshll.u32 s1, $0xA;
	_ =	swait.ge [sflag:s23], $0x4000  }
0x3c: {  	s0 =	sor.u32 s0, s1;
	[sflag:s23] =	ssyncset.done $0x0  }
0x3d: {  	s1 =	sor.u32 $0x2800, s0;
	[sflag:s23] =	ssyncadd.s32 $0xFFFFC000  }
0x3e: {  	[spmem:s2] =	stream.indirect.scatter.add.f32 [tilespmem:s14], [sflag:$0x4], $0x80, s1, s13, $0xb8;
	[tilespmem:$0x1F000] =	vst v63  }
0x3f: {  	_ =	swait.ge [sflag:s12], $0x4000  }
0x40: {  	s31 =	simm.s32 $0x3;
	s20 =	simm.s32 $0x200;
	[sflag:s12] =	ssyncset.done $0x0  }
0x41: {  	s0 =	sor.u32 $0x2880, s0;
	s22 =	simm.s32 $0x2;
	[sflag:s12] =	ssyncadd.s32 $0xFFFFC000  }
0x42: {  	[tilespmem:s14], [sflag:$0x1] =	stream.indirect.gather [hbm4b:s4+s13], $0x80, s20, s13, $0xb8;
	[tilespmem:$0x1F000] =	vst v63  }
0x43: {  	s18 =	simm.s32 $0x0;
	s1 =	sand.u32 $0x3, s22;
	_ =	swait.ge [sflag:s21], $0x4000  }
0x44: {  	s30 =	sadd.s32 $0x20, s11;
	p0 =	sne.s32 s1, $0x0;
	[sflag:s21] =	ssyncset.done $0x0  }
0x45: {  	s29 =	simm.s32 $0x300;
	p2 =	por @!p0 $0x0, $0x0;
	[sflag:s21] =	ssyncadd.s32 $0xFFFFC000  }
0x46: {  	[spmem:s2] =	stream.indirect.scatter.add.f32 [tilespmem:s19], [sflag:$0x4], $0x80, s0, s13, $0xb8;
	[tilespmem:$0x1F000] =	vst v63  }
0x47: {  	s0 =	sshll.u32 s1, $0x8;
	s1 =	simm.s32 @!p0 $0x3;
	_ =	swait.ge [sflag:s12], $0x4000  }
.LBB2_2:
0x48: {  	s18 =	sand.u32 $0x1, s18;
	p1 =	por p2, p0;
	[sflag:s12] =	ssyncset.done $0x0  }
0x49: {  	s20 =	sshll.u32 @!p1 s18, $0xA;
	s18 =	sshll.u32 s18, $0xA;
	[sflag:s12] =	ssyncadd.s32 $0xFFFFC000  }
0x4a: {  	_ =	swait.ge @!p0 [sflag:s1], $0x400;
	s20 =	sxor.u32 @!p1 $0x400, s20;
	s0 =	sor.u32 s0, s18  }
0x4b: {  	[sflag:s1] =	ssyncset.done @!p0 $0x0;
	s18 =	sor.u32 @!p1 $0x2800, s20;
	s20 =	simm.s32 @!p1 $0x0  }
0x4c: {  	s22 =	smov.u32 s31;
	s31 =	sadd.s32 $0x1, s31;
	[sflag:s1] =	ssyncadd.s32 @!p0 $0xFFFFFC00  }
0x4d: {  	[tilespmem:s18], [sflag:$0x3] =	stream.linear.gather @!p1 [hbm4b:s30+s20], $0x400, $0x38;
	[tilespmem:$0x1F000] =	vst v63  }
0x4e: {  	s1 =	sadd.s32 $0xFFFFFF80, s29;
	p1 =	sne.s32 s31, $0x27;
	s18 =	smov.u32 s29  }
0x4f: {  	[tilespmem:s19], [sflag:$0x2] =	stream.indirect.gather [hbm4b:s4+s13], $0x80, s1, s13, $0xb8;
	[tilespmem:$0x1F000] =	vst v63  }
0x50: {  	_ =	swait.ge [sflag:s23], $0x4000  }
0x51: {  	[sflag:s23] =	ssyncset.done $0x0  }
0x52: {  	s1 =	sor.u32 $0x2800, s0;
	[sflag:s23] =	ssyncadd.s32 $0xFFFFC000  }
0x53: {  	[spmem:s2] =	stream.indirect.scatter.add.f32 [tilespmem:s14], [sflag:$0x4], $0x80, s1, s13, $0xb8;
	[tilespmem:$0x1F000] =	vst v63  }
0x54: {  	_ =	swait.ge [sflag:s12], $0x4000  }
0x55: {  	[sflag:s12] =	ssyncset.done $0x0  }
0x56: {  	s30 =	sadd.s32 $0x20, s30;
	s29 =	sadd.s32 $0x100, s29;
	[sflag:s12] =	ssyncadd.s32 $0xFFFFC000  }
0x57: {  	[tilespmem:s14], [sflag:$0x1] =	stream.indirect.gather [hbm4b:s4+s13], $0x80, s18, s13, $0xb8;
	[tilespmem:$0x1F000] =	vst v63  }
.Ltmp0:
0x58: {  	s18 =	sshrl.u32 s22, $0x2;
	_ =	swait.ge [sflag:s21], $0x4000;
	(pc) =	sbr.rel @p1 .LBB2_2-.Ltmp0, $4  }
0x59: {  	s20 =	sor.u32 $0x2880, s0;
	s1 =	sand.u32 $0x3, s22;
	[sflag:s21] =	ssyncset.done $0x0  }
0x5a: {  	p0 =	sne.s32 s1, $0x0;
	s0 =	sshll.u32 s1, $0x8;
	[sflag:s21] =	ssyncadd.s32 $0xFFFFC000  }
0x5b: {  	[spmem:s2] =	stream.indirect.scatter.add.f32 [tilespmem:s19], [sflag:$0x4], $0x80, s20, s13, $0xb8;
	[tilespmem:$0x1F000] =	vst v63  }
0x5c: {  	s1 =	simm.s32 @!p0 $0x3;
	p2 =	sgt.u32 @!p0 s22, $0x23;
	_ =	swait.ge [sflag:s12], $0x4000  }
0x5d: {  	[sflag:s12] =	ssyncset.done $0x0  }
0x5e: {  	s18 =	sand.u32 $0x1, s18;
	p1 =	por p2, p0;
	[sflag:s12] =	ssyncadd.s32 $0xFFFFC000  }
0x5f: {  	s20 =	sshll.u32 @!p1 s18, $0xA;
	_ =	swait.ge @!p0 [sflag:s1], $0x400  }
0x60: {  	s20 =	sxor.u32 @!p1 $0x400, s20;
	[sflag:s1] =	ssyncset.done @!p0 $0x0  }
0x61: {  	s20 =	sor.u32 @!p1 $0x2800, s20;
	[sflag:s1] =	ssyncadd.s32 @!p0 $0xFFFFFC00;
	s1 =	simm.s32 @!p1 $0x0  }
0x62: {  	[tilespmem:s20], [sflag:$0x3] =	stream.linear.gather @!p1 [hbm4b:s30+s1], $0x400, $0x38;
	[tilespmem:$0x1F000] =	vst v63  }
0x63: {  	s30 =	sadd.s32 $0xFFFFFF80, s29  }
0x64: {  	[tilespmem:s19], [sflag:$0x2] =	stream.indirect.gather [hbm4b:s4+s13], $0x80, s30, s13, $0xb8;
	[tilespmem:$0x1F000] =	vst v63  }
0x65: {  	s31 =	sshll.u32 s18, $0xA;
	_ =	swait.ge [sflag:s23], $0x4000  }
0x66: {  	s0 =	sor.u32 s0, s31;
	[sflag:s23] =	ssyncset.done $0x0  }
0x67: {  	s1 =	sor.u32 $0x2800, s0;
	[sflag:s23] =	ssyncadd.s32 $0xFFFFC000  }
0x68: {  	[spmem:s2] =	stream.indirect.scatter.add.f32 [tilespmem:s14], [sflag:$0x4], $0x80, s1, s13, $0xb8;
	[tilespmem:$0x1F000] =	vst v63  }
0x69: {  	_ =	swait.ge [sflag:s12], $0x4000  }
0x6a: {  	[sflag:s12] =	ssyncset.done $0x0  }
0x6b: {  	[sflag:s12] =	ssyncadd.s32 $0xFFFFC000  }
0x6c: {  	[tilespmem:s14], [sflag:$0x1] =	stream.indirect.gather [hbm4b:s4+s13], $0x80, s29, s13, $0xb8;
	[tilespmem:$0x1F000] =	vst v63  }
0x6d: {  	_ =	swait.ge [sflag:s21], $0x4000  }
0x6e: {  	[sflag:s21] =	ssyncset.done $0x0  }
0x6f: {  	s0 =	sor.u32 $0x2880, s0;
	[sflag:s21] =	ssyncadd.s32 $0xFFFFC000  }
0x70: {  	[spmem:s2] =	stream.indirect.scatter.add.f32 [tilespmem:s19], [sflag:$0x4], $0x80, s0, s13, $0xb8;
	[tilespmem:$0x1F000] =	vst v63  }
0x71: {  	_ =	swait.ge [sflag:s12], $0x4000  }
0x72: {  	[sflag:s12] =	ssyncset.done $0x0  }
0x73: {  	[sflag:s12] =	ssyncadd.s32 $0xFFFFC000  }
0x74: {  	[tilespmem:s19], [sflag:$0x2] =	stream.indirect.gather [hbm4b:s4+s13], $0x80, s24, s13, $0xb8;
	[tilespmem:$0x1F000] =	vst v63  }
0x75: {  	_ =	swait.ge [sflag:s23], $0x4000  }
0x76: {  	[sflag:s23] =	ssyncset.done $0x0  }
0x77: {  	[sflag:s23] =	ssyncadd.s32 $0xFFFFC000  }
0x78: {  	[spmem:s2] =	stream.indirect.scatter.add.f32 [tilespmem:s14], [sflag:$0x4], $0x80, s25, s13, $0xb8;
	[tilespmem:$0x1F000] =	vst v63  }
0x79: {  	_ =	swait.ge [sflag:s12], $0x4000  }
0x7a: {  	[sflag:s12] =	ssyncset.done $0x0  }
0x7b: {  	[sflag:s12] =	ssyncadd.s32 $0xFFFFC000  }
0x7c: {  	_ =	swait.ge [sflag:s21], $0x4000  }
0x7d: {  	[sflag:s21] =	ssyncset.done $0x0  }
0x7e: {  	[sflag:s21] =	ssyncadd.s32 $0xFFFFC000  }
0x7f: {  	[spmem:s2] =	stream.indirect.scatter.add.f32 [tilespmem:s19], [sflag:$0x4], $0x80, s26, s13, $0xb8;
	[tilespmem:$0x1F000] =	vst v63  }
0x80: {  	_ =	swait.ge [sflag:s12], $0x4000  }
0x81: {  	s28 =	sadd.s32 $0x1, s28;
	[sflag:s12] =	ssyncset.done $0x0  }
0x82: {  	p0 =	sne.s32 s28, s10;
	[sflag:s12] =	ssyncadd.s32 $0xFFFFC000  }
.Ltmp1:
0x83: {  	[bflag:$0x0] =	sbarrier.arrive $0xFFFF;
	(pc) =	sbr.rel @p0 .LBB2_1-.Ltmp1, $4  }
0x84: {  	[hbm:s9], [sflag:s16] =	dma.local [spmem:s17], $0x2800  }
0x85: {  	_ =	swait.ge [sflag:s12], $0x2800  }
0x86: {  	[sflag:s12] =	ssyncset.done $0x0  }
0x87: {  	[sflag:s12] =	ssyncadd.s32 $0xFFFFD800  }
0x88: {  	_ =	sfence.sel $0x180000  }
0x89: {  	[bflag:$0x0] =	sbarrier.arrive $0xFFFF  }
0x8a: {  	_ =	strace $0x9000004A  }
0x8b: {  	s0 =	stileid.u32;
	[bflag:$0x2] =	sbarrier.arrive $0xFFFF  }
0x8c: {  	p0 =	sne.s32 s0, $0x0;
	s0 =	rddreg [dreg:$0x3]  }
0x8d: {  	s0 =	sadd.s32 @!p0 $0x100000, s0  }
0x8e: {  	[sflag:s0] =	ssyncadd.tile.s32 @!p0 $0x1;
	_ =	shalt  }
.Lfunc_end2:
_tile_overlayer_lowered:
.L_overlay_start_2:
0x8f: {  	(tag) =	ssettag $0x2  }
0x90: {  	s0 =	rddreg [dreg:$0x0];
	s2 =	stileid.u32  }
0x91: {  	s1 =	rddreg [dreg:$0x1];
	p0 =	sne.s32 s2, $0x0  }
0x92: {  	s3 =	rddreg [dreg:$0x2];
	[bflag:$0x3] =	sbarrier.arrive $0xFFFF;
	s2 =	simm.s32 @!p0 $0x1C04  }
0x93: {  	[timem:s3], [sflag:s2] =	dma.local @!p0 [hbm:s0], s1  }
0x94: {  	s0 =	simm.s32 @!p0 $0x4  }
0x95: {  	_ =	swait.ge @!p0 [sflag:s0], s1  }
0x96: {  	s1 =	ssub.s32 @!p0 $0x0, s1;
	[sflag:s0] =	ssyncset.done @!p0 $0x0  }
0x97: {  	[sflag:s0] =	ssyncadd.s32 @!p0 s1  }
0x98: {  	[bflag:$0x3] =	sbarrier.arrive $0xFFFF  }
0x99: {  	_ =	shalt  }

// kernel: kernel.16.cloned.1.call-start
scs
__scs_entry_jumppad:
0x0: {  	(pc) =	sbr.rel $0x88, $3  }
0x1: {  	(tag) =	ssettag $0x0;
	lr =	simm.s32 $0x1  }
0x2: {  	[smem:$0x3F92] =	sst lr;
	_ =	strace $0xD0000000  }
0x3: {  	_ = 	snop  }
0x4: {  	_ = 	snop  }
0x5: {  	_ = 	snop  }
0x6: {  	_ = 	snop  }
0x7: {  	_ = 	snop  }
__scs_overlays_trampoline_lowered:
0x8: {  	[smem:$0x3FA1] =	sst s0  }
0x9: {  	[smem:$0x3FA2] =	sst s1  }
0xa: {  	[smem:$0x3FA3] =	sst s2  }
0xb: {  	[smem:$0x3FA4] =	sst s3  }
0xc: {  	[smem:$0x3FA5] =	sst s4  }
0xd: {  	[smem:$0x3FA6] =	sst s5  }
0xe: {  	[smem:$0x3FA7] =	sst s6  }
0xf: {  	[smem:$0x3FA8] =	sst s7  }
0x10: {  	[smem:$0x3FA9] =	sst s8  }
0x11: {  	[smem:$0x3FAA] =	sst s9;
	s0 =	simm.s32 @!p0 $0x0  }
0x12: {  	s1 =	sld [smem:$0x3F90];
	s0 =	simm.s32 @p0 $0x1  }
0x13: {  	[smem:$0x3FAB] =	sst s0;
	s0 =	simm.s32 @!p1 $0x0  }
0x14: {  	s2 =	sld [smem:$0x3F8F];
	s0 =	simm.s32 @p1 $0x1  }
0x15: {  	[smem:$0x3FAC] =	sst s0;
	s0 =	simm.s32 @!p2 $0x0  }
0x16: {  	s3 =	sld [smem:$0x3FDB];
	s0 =	simm.s32 @p2 $0x1  }
0x17: {  	s4 =	simm.s32 $0x1BF5;
	[smem:$0x3FAE] =	sst s0  }
0x18: {  	s0 =	sld [smem:$0x3F91];
	_ =	swait.ge [sflag:s4], $0x0  }
0x19: {  	s7 =	sld [smem:$0x3F92]  }
0x1a: {  	s8 =	sadd.s32 $0xFFFFE003, lr  }
0x1b: {  	s9 =	sadd.s32 $0xFFFFFEF7, lr;
	s5 =	simm.s32 $0xFFFFFFFF;
	p2 =	slt.u32 s8, $0xFFFFF086  }
0x1c: {  	p1 =	slt.u32 s9, $0xF7A;
	s5 =	simm.s32 @!p2 $0x0  }
0x1d: {  	s5 =	simm.s32 @p1 $0x1;
	p0 =	seq.s32 s7, s2  }
0x1e: {  	s7 =	smul.u32 @!p0 $0xF7A, s2;
	p2 =	seq.s32 @!p0 s5, $0x0  }
0x1f: {  	s9 =	smul.u32 $0xF7A, s1;
	s8 =	simm.s32 @!p0 $0x1BF5;
	p2 =	por !p2, p0  }
0x20: {  	[sflag:s8] =	ssyncset.s32 @!p0 $0xFFFFF086;
	s6 =	sadd.s32 @!p0 s3, s7;
	s7 =	simm.s32 @!p0 $0x108  }
0x21: {  	s3 =	sadd.s32 s3, s9;
	s6 =	sadd.s32 @!p0 $0x88, s6;
	s7 =	simm.s32 @p2 $0x1082  }
0x22: {  	[simem:s7], [sflag:s8] =	dma.local @!p0 [hbm:s6], $0xF7A  }
0x23: {  	s9 =	sor.u32 $0xD0000000, s2;
	s6 =	simm.s32 $0x108;
	_ =	swait.ge @!p0 [sflag:s8], $0x0  }
0x24: {  	s3 =	sadd.s32 $0x88, s3;
	s6 =	simm.s32 @!p1 $0x1082;
	[sflag:s4] =	ssyncset.s32 $0xFFFFF086  }
0x25: {  	[simem:s6], [sflag:s4] =	dma.local [hbm:s3], $0xF7A  }
0x26: {  	[smem:$0x3F92] =	sst s1;
	(tag) =	ssettag s2;
	_ =	strace s9  }
0x27: {  	s1 =	sld [smem:$0x3FA2]  }
0x28: {  	s2 =	sld [smem:$0x3FA3]  }
0x29: {  	s4 =	sld [smem:$0x3FA5]  }
0x2a: {  	p0 =	seq.s32 s5, $0x0;
	s5 =	sld [smem:$0x3FA6]  }
0x2b: {  	s6 =	sld [smem:$0x3FA7]  }
0x2c: {  	s7 =	sld [smem:$0x3FA8]  }
0x2d: {  	s3 =	simm.s32 $0x108;
	s8 =	sld [smem:$0x3FA9]  }
0x2e: {  	s3 =	simm.s32 @!p0 $0x1082;
	s9 =	sld [smem:$0x3FAA]  }
0x2f: {  	lr =	sadd.s32 s0, s3;
	s0 =	sld [smem:$0x3FA1]  }
0x30: {  	s3 =	sld [smem:$0x3FA4]  }
0x31: {  	[smem:$0x3FAD] =	sst s10  }
0x32: {  	s10 =	sld [smem:$0x3FAB];
	_ =	sdelay $0x3  }
0x33: {  	p0 =	seq.s32 s10, $0x1;
	s10 =	sld [smem:$0x3FAD];
	_ =	sdelay $0x3  }
0x34: {  	[smem:$0x3FAD] =	sst s10  }
0x35: {  	s10 =	sld [smem:$0x3FAC];
	_ =	sdelay $0x3  }
0x36: {  	p1 =	seq.s32 s10, $0x1;
	s10 =	sld [smem:$0x3FAD];
	_ =	sdelay $0x3  }
0x37: {  	[smem:$0x3FAD] =	sst s10  }
0x38: {  	s10 =	sld [smem:$0x3FAE]  }
0x39: {  	_ = 	snop;
	(pc) =	sbr.ind lr, $3  }
0x3a: {  	_ = 	snop  }
0x3b: {  	_ = 	snop  }
0x3c: {  	p2 =	seq.s32 s10, $0x1;
	s10 =	sld [smem:$0x3FAD]  }
0x3d: {  	_ =	shalt  }
0x3e: {  	_ =	shalt  }
0x3f: {  	_ =	shalt  }
0x40: {  	_ =	shalt  }
0x41: {  	_ =	shalt  }
0x42: {  	_ =	shalt  }
0x43: {  	_ =	shalt  }
0x44: {  	_ =	shalt  }
0x45: {  	_ =	shalt  }
0x46: {  	_ =	shalt  }
0x47: {  	_ =	shalt  }
0x48: {  	_ =	shalt  }
0x49: {  	_ =	shalt  }
0x4a: {  	_ =	shalt  }
0x4b: {  	_ =	shalt  }
0x4c: {  	_ =	shalt  }
0x4d: {  	_ =	shalt  }
0x4e: {  	_ =	shalt  }
0x4f: {  	_ =	shalt  }
0x50: {  	_ =	shalt  }
0x51: {  	_ =	shalt  }
0x52: {  	_ =	shalt  }
0x53: {  	_ =	shalt  }
0x54: {  	_ =	shalt  }
0x55: {  	_ =	shalt  }
0x56: {  	_ =	shalt  }
0x57: {  	_ =	shalt  }
0x58: {  	_ =	shalt  }
0x59: {  	_ =	shalt  }
0x5a: {  	_ =	shalt  }
0x5b: {  	_ =	shalt  }
0x5c: {  	_ =	shalt  }
0x5d: {  	_ =	shalt  }
0x5e: {  	_ =	shalt  }
0x5f: {  	_ =	shalt  }
0x60: {  	_ =	shalt  }
0x61: {  	_ =	shalt  }
0x62: {  	_ =	shalt  }
0x63: {  	_ =	shalt  }
0x64: {  	_ =	shalt  }
0x65: {  	_ =	shalt  }
0x66: {  	_ =	shalt  }
0x67: {  	_ =	shalt  }
0x68: {  	_ =	shalt  }
0x69: {  	_ =	shalt  }
0x6a: {  	_ =	shalt  }
0x6b: {  	_ =	shalt  }
0x6c: {  	_ =	shalt  }
0x6d: {  	_ =	shalt  }
0x6e: {  	_ =	shalt  }
0x6f: {  	_ =	shalt  }
0x70: {  	_ =	shalt  }
0x71: {  	_ =	shalt  }
0x72: {  	_ =	shalt  }
0x73: {  	_ =	shalt  }
0x74: {  	_ =	shalt  }
0x75: {  	_ =	shalt  }
0x76: {  	_ =	shalt  }
0x77: {  	_ =	shalt  }
0x78: {  	_ =	shalt  }
0x79: {  	_ =	shalt  }
0x7a: {  	_ =	shalt  }
0x7b: {  	_ =	shalt  }
0x7c: {  	_ =	shalt  }
0x7d: {  	_ =	shalt  }
0x7e: {  	_ =	shalt  }
0x7f: {  	_ =	shalt  }
0x80: {  	_ =	shalt  }
0x81: {  	_ =	shalt  }
0x82: {  	_ =	shalt  }
0x83: {  	_ =	shalt  }
0x84: {  	_ =	shalt  }
0x85: {  	_ =	shalt  }
0x86: {  	_ =	shalt  }
0x87: {  	_ =	shalt  }
.Lfunc_end0:
.L_simem_size_0:
called_computation.2_lowered:
.L_overlay_start_0:
0x88: {  	s2 =	sld [smem:$0x3FD9]  }
0x89: {  	s3 =	sld [smem:$0x3FFE];
	_ =	sdelay $0x1  }
0x8a: {  	s1 =	srdreg.scid  }
0x8b: {  	s0 =	sand.u32 $0x1, s1  }
0x8c: {  	s16 =	sshll.u32 s0, $0xA;
	s2 =	sadd.s32 s3, s2  }
0x8d: {  	s2 =	sadd.s32 s2, s16  }
0x8e: {  	[smem:$0x3FB9] =	sst s2  }
0x8f: {  	_ = 	snop  }
0x90: {  	(tm) =	ssettm $0x1  }
0x91: {  	s17 =	sld [smem:$0x3FFB];
	_ =	sdelay $0x3  }
0x92: {  	_ =	strace s17  }
0x93: {  	s2 =	sld [smem:$0x3FFC];
	_ =	sdelay $0x3  }
0x94: {  	_ =	strace s2  }
0x95: {  	s2 =	sld [smem:$0x3FFD];
	_ =	sdelay $0x3  }
0x96: {  	_ =	strace s2  }
0x97: {  	_ =	strace $0x8FFFFFFF  }
0x98: {  	s18 =	sld [smem:$0x3FDB];
	_ =	sdelay $0x1  }
0x99: {  	s19 =	simm.s32 $_scs_section_size  }
0x9a: {  	s4 =	simm.s32 $_size__tile_overlayer_lowered;
	s5 =	simm.s32 $_tile_overlayer_lowered  }
0x9b: {  	s22 =	simm.s32 $0x1BFF;
	s21 =	sshll.u32 s5, $0x1;
	s2 =	sadd.s32 s19, s18  }
0x9c: {  	s6 =	simm.s32 $0x0;
	s20 =	sshll.u32 s4, $0x1;
	s4 =	sadd.s32 s21, s2  }
0x9d: {  	[timem:s6], [sflag:s22] =	dma.local [hbm:s4], s20  }
0x9e: {  	_ =	swait.ge [sflag:s22], s20  }
0x9f: {  	s3 =	ssub.s32 $0x0, s20;
	[sflag:s22] =	ssyncset.done $0x0  }
0xa0: {  	[sflag:s22] =	ssyncadd.s32 s3;
	_ =	sdelay $0x1  }
0xa1: {  	s23 =	simm.s32 $0x1B8B  }
0xa2: {  	_ =	swait.ge [sflag:s23], $0x1  }
0xa3: {  	[sflag:s23] =	ssyncset.done $0x0  }
0xa4: {  	s25 =	simm.s32 $0x1B8E;
	s24 =	sld [smem:$0x3FFE];
	[sflag:s23] =	ssyncadd.s32 $0xFFFFFFFF  }
0xa5: {  	s26 =	simm.s32 $execute0_lowered;
	[smem:$0x3FD2] =	sst s25  }
0xa6: {  	s4 =	sshll.u32 s26, $0x1;
	_ =	strace $0x8000004C;
	[dreg:$0x1] =	wrdreg $0xFFFFFFFF  }
0xa7: {  	s28 =	simm.s32 $_size_execute0_lowered;
	s2 =	sadd.s32 s2, s4;
	[dreg:$0x0] =	wrdreg $0x0  }
0xa8: {  	s4 =	sshll.u32 s28, $0x1;
	[dreg:$0x2] =	wrdreg s2  }
0xa9: {  	[dreg:$0x3] =	wrdreg s4  }
0xaa: {  	[dreg:$0x4] =	wrdreg $0xC0  }
0xab: {  	_ =	task [dreg:s6], $0x5FFFF  }
0xac: {  	[dreg:$0x1] =	wrdreg $0xFFFFFFFF  }
0xad: {  	[dreg:$0x0] =	wrdreg $0x60  }
0xae: {  	[dreg:$0x2] =	wrdreg s24  }
0xaf: {  	[dreg:$0x3] =	wrdreg $0x9  }
0xb0: {  	_ =	task.clear_ibuf [dreg:s6], $0x4FFFF;
	_ =	strace $0x9000004C  }
0xb1: {  	s29 =	simm.s32 $0x9;
	_ =	strace $0x8000004E  }
0xb2: {  	_ =	swait.ge [sflag:s29], $0x1  }
0xb3: {  	[sflag:s29] =	ssyncadd.s32 $0xFFFFFFFF  }
0xb4: {  	_ =	strace $0x9000004E  }
0xb5: {  	_ =	sfence  }
0xb6: {  	s30 =	sld [smem:$0x0];
	_ =	sdelay $0x2  }
0xb7: {  	s31 =	sshll.u32 s1, $0xD;
	s1 =	sshrl.u32 s1, $0x2  }
0xb8: {  	s3 =	sand.u32 $0x4000, s31;
	s1 =	sadd.s32 s1, s30  }
0xb9: {  	s0 =	sor.u32 s3, s0;
	s1 =	sshll.u32 s1, $0x11  }
0xba: {  	s0 =	sor.u32 s1, s0  }
0xbb: {  	s0 =	sadd.s32 $0x8F2B, s0  }
0xbc: {  	[sflag:s0] =	ssyncadd.remote.s32 $0x1  }
0xbd: {  	_ =	sfence.sel $0xFFFF  }
0xbe: {  	[dreg:$0x0] =	wrdreg $0xFFFFFFFF;
	(pc) =	sbr.abs _section_cstart, $3  }
0xbf: {  	[dreg:$0x1] =	wrdreg $0xFFFFFFFF  }
0xc0: {  	_ =	task.clear_ibuf [dreg:s6], $0x2FFFF;
	_ =	strace $0x9FFFFFFF  }
0xc1: {  	(tm) =	ssettm $0x7FFFFFFF  }
tec
execute0_lowered:
.L_overlay_start_1:
0x0: {  	(tag) =	ssettag $0x1  }
0x1: {  	s1 =	srdreg.scid  }
0x2: {  	s0 =	stileid.u32;
	s9 =	rddreg [dreg:$0x0];
	s6 =	sand.u32 $0x1, s1  }
0x3: {  	s7 =	simm.s32 $0x80;
	s30 =	sshll.u32 s0, $0x7;
	s2 =	sshll.u32 s6, $0x6  }
0x4: {  	s8 =	simm.s32 $0x1;
	s1 =	rddreg [dreg:$0x1];
	s10 =	sor.u32 s2, s30  }
0x5: {  	s5 =	sadd.s32 $0xD0A00, s9;
	s2 =	simm.s32 $0x0;
	s3 =	sshrl.u32 s10, $0x3  }
0x6: {  	s11 =	ssub.s32 $0x2, s6;
	[smem:$0x7FF] =	sst s2;
	s3 =	sadd.s32 s3, s9  }
0x7: {  	_ =	strace $0x8000004D;
	s4 =	sadd.s32 $0x120A00, s3;
	s3 =	simm.s32 $0x2  }
0x8: {  	[tilespmem:s2], [sflag:$0x2] =	stream.linear.gather [hbm4b:s4+s2], $0x40, $0x38;
	[tilespmem:$0x2080] =	vst v63  }
0x9: {  	s6 =	simm.s32 $0x40;
	s12 =	sshrl.u32 s11, $0x1;
	_ =	swait.ge [sflag:s3], $0x40  }
0xa: {  	s10 =	sshll.u32 s10, $0x4;
	s31 =	ssub.s32 s11, s12;
	[sflag:s3] =	ssyncset.done $0x0  }
0xb: {  	s9 =	sadd.s32 s10, s9;
	s10 =	smax.u32 s31, $0x1;
	[sflag:s3] =	ssyncadd.s32 $0xFFFFFFC0  }
0xc: {  	[tilespmem:s7], [sflag:$0x1] =	stream.indirect.gather [hbm4b:s5+s6], $0x80, s2, s6, $0xb8;
	[tilespmem:$0x2080] =	vst v63  }
0xd: {  	p0 =	sne.s32 s10, $0x1;
	_ =	swait.ge [sflag:s8], $0x2000  }
.Ltmp0:
0xe: {  	[sflag:s8] =	ssyncset.done $0x0;
	(pc) =	sbr.rel @!p0 .LBB2_2-.Ltmp0, $4  }
0xf: {  	s9 =	sadd.s32 $0x2600, s9;
	[sflag:s8] =	ssyncadd.s32 $0xFFFFE000  }
0x10: {  	[hbm4b:s9+s2] =	stream.linear.scatter [tilespmem:s7], [sflag:$0x2], $0x2000, $0x38;
	[tilespmem:$0x2080] =	vst v63  }
0x11: {  	_ =	swait.ge [sflag:s3], $0x2000  }
0x12: {  	s10 =	sadd.s32 $0xFFFFFFFF, s10;
	[sflag:s3] =	ssyncset.done $0x0  }
.LBB2_1:
0x13: {  	p0 =	sne.s32 s10, $0x1;
	s10 =	sadd.s32 $0xFFFFFFFF, s10;
	[sflag:s3] =	ssyncadd.s32 $0xFFFFE000  }
0x14: {  	[tilespmem:s2], [sflag:$0x2] =	stream.linear.gather [hbm4b:s4+s2], $0x40, $0x38;
	[tilespmem:$0x2080] =	vst v63  }
0x15: {  	_ =	swait.ge [sflag:s3], $0x40  }
0x16: {  	[sflag:s3] =	ssyncset.done $0x0  }
0x17: {  	[sflag:s3] =	ssyncadd.s32 $0xFFFFFFC0  }
0x18: {  	[tilespmem:s7], [sflag:$0x1] =	stream.indirect.gather [hbm4b:s5+s6], $0x80, s2, s6, $0xb8;
	[tilespmem:$0x2080] =	vst v63  }
0x19: {  	_ =	swait.ge [sflag:s8], $0x2000  }
.Ltmp1:
0x1a: {  	[sflag:s8] =	ssyncset.done $0x0;
	(pc) =	sbr.rel @p0 .LBB2_1-.Ltmp1, $4  }
0x1b: {  	[sflag:s8] =	ssyncadd.s32 $0xFFFFE000  }
0x1c: {  	[hbm4b:s9+s2] =	stream.linear.scatter [tilespmem:s7], [sflag:$0x2], $0x2000, $0x38;
	[tilespmem:$0x2080] =	vst v63  }
0x1d: {  	_ =	swait.ge [sflag:s3], $0x2000  }
0x1e: {  	[sflag:s3] =	ssyncset.done $0x0  }
.LBB2_2:
0x1f: {  	[sflag:s3] =	ssyncadd.s32 $0xFFFFE000  }
0x20: {  	_ =	sfence.sel $0x180000  }
0x21: {  	[bflag:$0x0] =	sbarrier.arrive $0xFFFF  }
0x22: {  	p0 =	sne.s32 s0, $0x0;
	_ =	strace $0x9000004D  }
0x23: {  	s0 =	sadd.s32 @!p0 $0x100000, s1;
	[bflag:$0x2] =	sbarrier.arrive $0xFFFF  }
0x24: {  	[sflag:s0] =	ssyncadd.tile.s32 @!p0 $0x1;
	_ =	shalt  }
.Lfunc_end2:
_tile_overlayer_lowered:
.L_overlay_start_2:
0x25: {  	(tag) =	ssettag $0x2  }
0x26: {  	s0 =	rddreg [dreg:$0x0];
	s2 =	stileid.u32  }
0x27: {  	s1 =	rddreg [dreg:$0x1];
	p0 =	sne.s32 s2, $0x0  }
0x28: {  	s3 =	rddreg [dreg:$0x2];
	[bflag:$0x3] =	sbarrier.arrive $0xFFFF;
	s2 =	simm.s32 @!p0 $0x1C02  }
0x29: {  	[timem:s3], [sflag:s2] =	dma.local @!p0 [hbm:s0], s1  }
0x2a: {  	s0 =	simm.s32 @!p0 $0x2  }
0x2b: {  	_ =	swait.ge @!p0 [sflag:s0], s1  }
0x2c: {  	s1 =	ssub.s32 @!p0 $0x0, s1;
	[sflag:s0] =	ssyncset.done @!p0 $0x0  }
0x2d: {  	[sflag:s0] =	ssyncadd.s32 @!p0 s1  }
0x2e: {  	[bflag:$0x3] =	sbarrier.arrive $0xFFFF  }
0x2f: {  	_ =	shalt  }

</sc_bundles>
